<compile_context>
chip_gen: v7x
topology: tpu7x:2x2x1
jax: 0.10.2.dev20260603
libtpu: 0.0.44.dev20260713+nightly
codegen_flags: <defaults>
</compile_context>

<pallas_src>
import jax
import jax.numpy as jnp
from jax import lax
from jax.experimental import pallas as pl
from jax.experimental.pallas import tpu as pltpu
from jax.experimental.pallas import tpu_sc as plsc

N = 10000
E = 320000
R = 8
G = 128
H1 = 128
H2 = 128

NC = 2
NS = 16
L = 16

CH = 128
NCHUNK = E // CH
CPT = -(-NCHUNK // NS)

HALF = N // NC
DUMP = HALF
LROWS = HALF + 8

ZB = 312
ZB_LAST = LROWS - (NS - 1) * ZB
WB = 312
WB_LAST = HALF - (NS - 1) * WB

_SC_MESH = plsc.VectorSubcoreMesh(core_axis_name="c", subcore_axis_name="s")

INV_SQRT_H2 = 1.0 / (H2 ** 0.5)



def _dense1_body(x_ref, wrel_ref, wroot_ref, b1_ref, ytab_ref, root_ref):
    x = x_ref[...]
    for r in range(R):
        ytab_ref[:, r, :] = jnp.dot(x, wrel_ref[r],
                                    preferred_element_type=jnp.float32)
    root_ref[...] = (jnp.dot(x, wroot_ref[...],
                             preferred_element_type=jnp.float32)
                     + b1_ref[...])


def _dense1(x, W_rel, W_root, b1):
    BLK = 1000
    grid = (N // BLK,)
    return pl.pallas_call(
        _dense1_body,
        grid=grid,
        in_specs=[
            pl.BlockSpec((BLK, G), lambda i: (i, 0)),
            pl.BlockSpec((R, G, H1), lambda i: (0, 0, 0)),
            pl.BlockSpec((G, H1), lambda i: (0, 0)),
            pl.BlockSpec((1, H1), lambda i: (0, 0)),
        ],
        out_specs=[
            pl.BlockSpec((BLK, R, H1), lambda i: (i, 0, 0)),
            pl.BlockSpec((BLK, H1), lambda i: (i, 0)),
        ],
        out_shape=[
            jax.ShapeDtypeStruct((N, R, H1), jnp.float32),
            jax.ShapeDtypeStruct((N, H1), jnp.float32),
        ],
    )(x, W_rel, W_root, b1.reshape(1, H1))



def _sc_zero_init(sid, zeros_h, zeros16_h, big_s, small_s):
    zr0 = sid * ZB

    @pl.when(sid < NS - 1)
    def _():
        pltpu.sync_copy(zeros_h.at[pl.ds(zr0, ZB)], big_s.at[pl.ds(zr0, ZB)])
        pltpu.sync_copy(zeros16_h.at[pl.ds(zr0, ZB)],
                        small_s.at[pl.ds(zr0, ZB)])

    @pl.when(sid == NS - 1)
    def _():
        pltpu.sync_copy(zeros_h.at[pl.ds(zr0, ZB_LAST)],
                        big_s.at[pl.ds(zr0, ZB_LAST)])
        pltpu.sync_copy(zeros16_h.at[pl.ds(zr0, ZB_LAST)],
                        small_s.at[pl.ds(zr0, ZB_LAST)])


def _sc_writeback(cid, sid, big_s, small_s, big_out, small_out):
    lo = cid * HALF
    r0 = sid * WB

    @pl.when(sid < NS - 1)
    def _():
        pltpu.sync_copy(big_s.at[pl.ds(r0, WB)],
                        big_out.at[pl.ds(lo + r0, WB)])
        pltpu.sync_copy(small_s.at[pl.ds(r0, WB)],
                        small_out.at[pl.ds(lo + r0, WB)])

    @pl.when(sid == NS - 1)
    def _():
        pltpu.sync_copy(big_s.at[pl.ds(r0, WB_LAST)],
                        big_out.at[pl.ds(lo + r0, WB_LAST)])
        pltpu.sync_copy(small_s.at[pl.ds(r0, WB_LAST)],
                        small_out.at[pl.ds(lo + r0, WB_LAST)])



def _sc_rgcn_body(ed_h, ytab_h, zeros_h, zeros16_h,
                  agg_out, cnt_out,
                  ed_v, idx_v, dst_v, rows_v, ones_v,
                  agg_s, cnt_s, sem):
    cid = lax.axis_index("c")
    sid = lax.axis_index("s")
    lo = cid * HALF

    _sc_zero_init(sid, zeros_h, zeros16_h, agg_s, cnt_s)

    def _init_ones(j, carry):
        ones_v[j] = jnp.full((L,), 1.0, jnp.float32)
        return carry
    lax.fori_loop(0, CH, _init_ones, 0)

    plsc.subcore_barrier()

    def _step(t, carry):
        g = t * NS + sid

        @pl.when(g < NCHUNK)
        def _():
            pltpu.sync_copy(ed_h.at[g], ed_v)

            def _mkidx(j, c):
                sl = pl.ds(j * L, L)
                dl = ed_v[2, sl] - lo
                m = (dl >= 0) & (dl < HALF)
                idx_v[sl] = ed_v[0, sl] * R + ed_v[1, sl]
                dst_v[sl] = jnp.where(m, dl, DUMP)
                return c
            lax.fori_loop(0, CH // L, _mkidx, 0)

            pltpu.async_copy(ytab_h.at[idx_v], rows_v, sem).wait()
            pltpu.sync_copy(rows_v, agg_s.at[dst_v], add=True)
            pltpu.sync_copy(ones_v, cnt_s.at[dst_v], add=True)
        return carry

    lax.fori_loop(0, CPT, _step, 0)

    plsc.subcore_barrier()

    _sc_writeback(cid, sid, agg_s, cnt_s, agg_out, cnt_out)


_sc_rgcn = pl.kernel(
    _sc_rgcn_body,
    out_type=[
        jax.ShapeDtypeStruct((N, H1), jnp.float32),
        jax.ShapeDtypeStruct((N, L), jnp.float32),
    ],
    mesh=_SC_MESH,
    scratch_types=[
        pltpu.VMEM((3, CH), jnp.int32),
        pltpu.VMEM((CH,), jnp.int32),
        pltpu.VMEM((CH,), jnp.int32),
        pltpu.VMEM((CH, H1), jnp.float32),
        pltpu.VMEM((CH, L), jnp.float32),
        pltpu.VMEM_SHARED((LROWS, H1), jnp.float32),
        pltpu.VMEM_SHARED((LROWS, L), jnp.float32),
        pltpu.SemaphoreType.DMA,
    ],
)



def _dense2_body(agg_ref, cnt_ref, root_ref, wq_ref, bq_ref, wk_ref, bk_ref,
                 wv_ref, bv_ref, ws_ref, bs_ref,
                 q_ref, kv_ref, skip_ref):
    cnt = cnt_ref[:, 0:1]
    h1 = agg_ref[...] / jnp.maximum(cnt, 1.0) + root_ref[...]
    q_ref[...] = jnp.dot(h1, wq_ref[...],
                         preferred_element_type=jnp.float32) + bq_ref[...]
    kv_ref[:, :H2] = jnp.dot(h1, wk_ref[...],
                             preferred_element_type=jnp.float32) + bk_ref[...]
    kv_ref[:, H2:] = jnp.dot(h1, wv_ref[...],
                             preferred_element_type=jnp.float32) + bv_ref[...]
    skip_ref[...] = jnp.dot(h1, ws_ref[...],
                            preferred_element_type=jnp.float32) + bs_ref[...]


def _dense2(agg, cnt, root, Wq, bq, Wk, bk, Wv, bv, Wskip, bskip):
    BLK = 1000
    grid = (N // BLK,)
    wspec = pl.BlockSpec((H1, H2), lambda i: (0, 0))
    bspec = pl.BlockSpec((1, H2), lambda i: (0, 0))
    return pl.pallas_call(
        _dense2_body,
        grid=grid,
        in_specs=[
            pl.BlockSpec((BLK, H1), lambda i: (i, 0)),
            pl.BlockSpec((BLK, L), lambda i: (i, 0)),
            pl.BlockSpec((BLK, H1), lambda i: (i, 0)),
            wspec, bspec, wspec, bspec, wspec, bspec, wspec, bspec,
        ],
        out_specs=[
            pl.BlockSpec((BLK, H2), lambda i: (i, 0)),
            pl.BlockSpec((BLK, 2 * H2), lambda i: (i, 0)),
            pl.BlockSpec((BLK, H2), lambda i: (i, 0)),
        ],
        out_shape=[
            jax.ShapeDtypeStruct((N, H2), jnp.float32),
            jax.ShapeDtypeStruct((N, 2 * H2), jnp.float32),
            jax.ShapeDtypeStruct((N, H2), jnp.float32),
        ],
    )(agg, cnt, root,
      Wq, bq.reshape(1, H2), Wk, bk.reshape(1, H2),
      Wv, bv.reshape(1, H2), Wskip, bskip.reshape(1, H2))



TPW = -(-NCHUNK // (NC * NS))


def _sc_gather_rows_body(idxsrc_h, tab_h, out_h, idx_v, rows_v, sem):
    cid = lax.axis_index("c")
    sid = lax.axis_index("s")
    w = cid * NS + sid

    def _step(t, carry):
        g = t * (NC * NS) + w

        @pl.when(g < NCHUNK)
        def _():
            base = g * CH
            pltpu.sync_copy(idxsrc_h.at[pl.ds(base, CH)], idx_v)
            pltpu.async_copy(tab_h.at[idx_v], rows_v, sem).wait()
            pltpu.sync_copy(rows_v, out_h.at[pl.ds(base, CH)])
        return carry

    lax.fori_loop(0, TPW, _step, 0)


_sc_gather_rows = pl.kernel(
    _sc_gather_rows_body,
    out_type=jax.ShapeDtypeStruct((E, H2), jnp.float32),
    mesh=_SC_MESH,
    scratch_types=[
        pltpu.VMEM((CH,), jnp.int32),
        pltpu.VMEM((CH, H2), jnp.float32),
        pltpu.SemaphoreType.DMA,
    ],
)



def _dense_w_body(qd_ref, ks_ref, w_ref):
    logit = jnp.sum(qd_ref[...] * ks_ref[...], axis=1, keepdims=True)
    w_ref[...] = jnp.broadcast_to(jnp.exp(logit * INV_SQRT_H2),
                                  w_ref.shape)


def _dense_w(qd, ks):
    BLKE = 4000
    grid = (E // BLKE,)
    return pl.pallas_call(
        _dense_w_body,
        grid=grid,
        in_specs=[
            pl.BlockSpec((BLKE, H2), lambda i: (i, 0)),
            pl.BlockSpec((BLKE, H2), lambda i: (i, 0)),
        ],
        out_specs=pl.BlockSpec((BLKE, L), lambda i: (i, 0)),
        out_shape=jax.ShapeDtypeStruct((E, L), jnp.float32),
    )(qd, ks)



def _sc_scatter_body(ed_h, v_h, w16_h, zeros_h, zeros16_h,
                     num_out, den_out,
                     ed_v, dst_v, v_stage, wv_stage, w_stage,
                     num_s, den_s, sem):
    cid = lax.axis_index("c")
    sid = lax.axis_index("s")
    lo = cid * HALF

    _sc_zero_init(sid, zeros_h, zeros16_h, num_s, den_s)

    plsc.subcore_barrier()

    def _step(t, carry):
        g = t * NS + sid

        @pl.when(g < NCHUNK)
        def _():
            base = g * CH
            pltpu.sync_copy(ed_h.at[g], ed_v)
            pltpu.async_copy(v_h.at[ed_v.at[0]], v_stage, sem).wait()
            pltpu.sync_copy(w16_h.at[pl.ds(base, CH)], w_stage)

            def _mkdst(j, c):
                sl = pl.ds(j * L, L)
                dl = ed_v[2, sl] - lo
                m = (dl >= 0) & (dl < HALF)
                dst_v[sl] = jnp.where(m, dl, DUMP)
                return c
            lax.fori_loop(0, CH // L, _mkdst, 0)

            def _edge(e, c):
                wvec = w_stage[e]
                for j in range(H2 // L):
                    sl = pl.ds(j * L, L)
                    wv_stage[e, sl] = wvec * v_stage[e, sl]
                return c
            lax.fori_loop(0, CH, _edge, 0)

            pltpu.sync_copy(wv_stage, num_s.at[dst_v], add=True)
            pltpu.sync_copy(w_stage, den_s.at[dst_v], add=True)
        return carry

    lax.fori_loop(0, CPT, _step, 0)

    plsc.subcore_barrier()

    _sc_writeback(cid, sid, num_s, den_s, num_out, den_out)


_sc_scatter = pl.kernel(
    _sc_scatter_body,
    out_type=[
        jax.ShapeDtypeStruct((N, H2), jnp.float32),
        jax.ShapeDtypeStruct((N, L), jnp.float32),
    ],
    mesh=_SC_MESH,
    scratch_types=[
        pltpu.VMEM((3, CH), jnp.int32),
        pltpu.VMEM((CH,), jnp.int32),
        pltpu.VMEM((CH, H2), jnp.float32),
        pltpu.VMEM((CH, H2), jnp.float32),
        pltpu.VMEM((CH, L), jnp.float32),
        pltpu.VMEM_SHARED((LROWS, H2), jnp.float32),
        pltpu.VMEM_SHARED((LROWS, L), jnp.float32),
        pltpu.SemaphoreType.DMA,
    ],
)



def _dense3_body(num_ref, den_ref, skip_ref, gamma_ref, beta_ref, out_ref):
    den = den_ref[:, 0:1]
    attn = jnp.where(den > 0.0,
                     num_ref[...] / jnp.maximum(den, 1e-30),
                     0.0)
    h2 = attn + skip_ref[...]
    mean = jnp.mean(h2, axis=0, keepdims=True)
    var = jnp.mean((h2 - mean) ** 2, axis=0, keepdims=True)
    xn = (h2 - mean) / jnp.sqrt(var + 1e-5)
    o = gamma_ref[...] * xn + beta_ref[...]
    out_ref[...] = jnp.where(o > 0.0, o, 0.01 * o)


def _dense3(num, den, skip, gamma, beta):
    return pl.pallas_call(
        _dense3_body,
        out_shape=jax.ShapeDtypeStruct((N, H2), jnp.float32),
    )(num, den, skip, gamma.reshape(1, H2), beta.reshape(1, H2))



def kernel(node_features, edge_index, edge_type, W_rel, W_root, b1,
           Wq, bq, Wk, bk, Wv, bv, Wskip, bskip, gamma, beta):
    src = edge_index[0]
    dst = edge_index[1]
    ed = jnp.stack([src, edge_type, dst], 0).reshape(
        3, NCHUNK, CH).transpose(1, 0, 2)

    ytab3, root = _dense1(node_features, W_rel, W_root, b1)
    ytab = ytab3.reshape(N * R, H1)

    zeros = jnp.zeros((N, H1), jnp.float32)
    zeros16 = jnp.zeros((N, L), jnp.float32)
    agg, cnt = _sc_rgcn(ed, ytab, zeros, zeros16)

    q, kv, skip = _dense2(agg, cnt, root, Wq, bq, Wk, bk, Wv, bv,
                          Wskip, bskip)
    k = kv[:, :H2]
    v = kv[:, H2:]

    qd = _sc_gather_rows(dst, q)
    ks = _sc_gather_rows(src, k)
    w16 = _dense_w(qd, ks)
    num, den = _sc_scatter(ed, v, w16, zeros, zeros16)

    return _dense3(num, den, skip, gamma, beta)

# --- scband reference (transcript-rebuilt; emitter-appended) ---
"""Pipeline reference for scband-gnn-6837587935613 (READ-ONLY COPY).

The authoritative reference and input builder live on the scoring server;
editing this copy changes nothing except your own understanding.
"""

import jax, jax.numpy as jnp
import numpy as np

N = 10000
E = 320000
R = 8
G = 128
H1 = 128
H2 = 128


def setup_inputs(seed: int = 0) -> dict:
    key = jax.random.key(seed)
    ks = jax.random.split(key, 20)
    node_features = jax.random.normal(ks[0], (N, G), dtype=jnp.float32)
    edge_index = jax.random.randint(ks[1], (2, E), 0, N, dtype=jnp.int32)
    edge_type = jax.random.randint(ks[2], (E,), 0, R, dtype=jnp.int32)
    s1 = 1.0 / np.sqrt(G)
    s2 = 1.0 / np.sqrt(H1)
    return {
        "node_features": node_features,
        "edge_index": edge_index,
        "edge_type": edge_type,
        "W_rel": jax.random.normal(ks[3], (R, G, H1), dtype=jnp.float32) * s1,
        "W_root": jax.random.normal(ks[4], (G, H1), dtype=jnp.float32) * s1,
        "b1": jnp.zeros((H1,), dtype=jnp.float32),
        "Wq": jax.random.normal(ks[5], (H1, H2), dtype=jnp.float32) * s2,
        "bq": jnp.zeros((H2,), dtype=jnp.float32),
        "Wk": jax.random.normal(ks[6], (H1, H2), dtype=jnp.float32) * s2,
        "bk": jnp.zeros((H2,), dtype=jnp.float32),
        "Wv": jax.random.normal(ks[7], (H1, H2), dtype=jnp.float32) * s2,
        "bv": jnp.zeros((H2,), dtype=jnp.float32),
        "Wskip": jax.random.normal(ks[8], (H1, H2), dtype=jnp.float32) * s2,
        "bskip": jnp.zeros((H2,), dtype=jnp.float32),
        "gamma": jnp.ones((H2,), dtype=jnp.float32),
        "beta": jnp.zeros((H2,), dtype=jnp.float32),
    }


def reference(node_features, edge_index, edge_type, W_rel, W_root, b1,
              Wq, bq, Wk, bk, Wv, bv, Wskip, bskip, gamma, beta):
    src = edge_index[0]
    dst = edge_index[1]

    # ---- RGCNConv (mean aggregation, per-relation weights, root + bias) ----
    x_src = node_features[src]                      # gather [E, G]
    num_edges = edge_index.shape[1]
    chunk = 2500
    num_chunks = num_edges // chunk

    def _rel_msg(args):
        xs, et = args
        W_e = W_rel[et]                             # gather [C, G, H1]
        return jnp.einsum('ei,eio->eo', xs, W_e)    # [C, H1]

    msg = jax.lax.map(
        _rel_msg,
        (x_src.reshape(num_chunks, chunk, x_src.shape[1]),
         edge_type.reshape(num_chunks, chunk)),
    )
    msg = msg.reshape(num_edges, -1)                # [E, H1]
    agg = jax.ops.segment_sum(msg, dst, num_segments=N)
    cnt = jax.ops.segment_sum(jnp.ones((E,), jnp.float32), dst, num_segments=N)
    agg = agg / jnp.maximum(cnt, 1.0)[:, None]
    h1 = agg + node_features @ W_root + b1          # [N, H1]

    # ---- TransformerConv (heads=1, concat=True, root skip) ----
    q = h1 @ Wq + bq
    k = h1 @ Wk + bk
    v = h1 @ Wv + bv
    logits = jnp.sum(q[dst] * k[src], axis=-1) / jnp.sqrt(jnp.float32(H2))
    seg_max = jax.ops.segment_max(logits, dst, num_segments=N)
    ex = jnp.exp(logits - seg_max[dst])
    denom = jax.ops.segment_sum(ex, dst, num_segments=N)
    alpha = ex / denom[dst]
    attn = jax.ops.segment_sum(alpha[:, None] * v[src], dst, num_segments=N)
    h2 = attn + h1 @ Wskip + bskip                  # [N, H2]

    # ---- BatchNorm1d (training-mode batch stats) + LeakyReLU(0.01) ----
    mean = jnp.mean(h2, axis=0)
    var = jnp.mean((h2 - mean) ** 2, axis=0)
    xn = (h2 - mean) / jnp.sqrt(var + 1e-5)
    out = gamma * xn + beta
    out = jnp.where(out > 0, out, 0.01 * out)
    return out

if __name__ == "__main__":
    import jax
    _d = setup_inputs()
    print(jax.jit(kernel)(*tuple(_d.values())))

</pallas_src>

<mosaic_0001>
#map = affine_map<(d0, d1) -> (0, 0, 0)>
#map1 = affine_map<(d0, d1) -> (0, 0)>
module attributes {stable_mosaic.version = 14 : i64} {
  func.func @_sc_scatter_body(%arg0: i32, %arg1: i32, %arg2: memref<2500x3x128xi32, #tpu.memory_space<hbm>>, %arg3: memref<10000x128xf32, #tpu.memory_space<hbm>>, %arg4: memref<320000x16xf32, #tpu.memory_space<hbm>>, %arg5: memref<10000x128xf32, #tpu.memory_space<hbm>>, %arg6: memref<10000x16xf32, #tpu.memory_space<hbm>>, %arg7: memref<10000x128xf32, #tpu.memory_space<hbm>>, %arg8: memref<10000x16xf32, #tpu.memory_space<hbm>>, %arg9: memref<3x128xi32, #tpu.memory_space<vmem>>, %arg10: memref<128xi32, #tpu.memory_space<vmem>>, %arg11: memref<128x128xf32, #tpu.memory_space<vmem>>, %arg12: memref<128x128xf32, #tpu.memory_space<vmem>>, %arg13: memref<128x16xf32, #tpu.memory_space<vmem>>, %arg14: memref<5008x128xf32, #tpu.memory_space<vmem_shared>>, %arg15: memref<5008x16xf32, #tpu.memory_space<vmem_shared>>, %arg16: memref<!tpu.dma_semaphore, #tpu.memory_space<semaphore_mem>>) attributes {dimension_semantics = [#tpu.dimension_semantics<core_parallel>, #tpu.dimension_semantics<subcore_parallel>], iteration_bounds = array<i64: 2, 16>, scalar_prefetch = 0 : i64, scratch_operands = 8 : i64, tpu.core_type = #tpu.core_type<sc_vector_subcore>, window_params = [{transform_indices = #map}, {transform_indices = #map1}, {transform_indices = #map1}, {transform_indices = #map1}, {transform_indices = #map1}, {transform_indices = #map1}, {transform_indices = #map1}]} {
    %mul3A = arith.constant 5000 : i32
    %mul3A_0 = arith.muli %arg0, %mul3A : i32
    %mul3A_1 = arith.constant 312 : i32
    %mul3A_2 = arith.muli %arg1, %mul3A_1 : i32
    %lt3A = arith.constant 15 : i32
    %lt3A_3 = arith.cmpi slt, %arg1, %lt3A : i32
    %convert_element_type3A = arith.extui %lt3A_3 : i1 to i32
    %cond3A = arith.constant 0 : i32
    %cond3A_4 = arith.cmpi ne, %convert_element_type3A, %cond3A : i32
    scf.if %cond3A_4 {
      "tpu.region"() ({
        %run_scoped3A = tpu.sem_alloc : memref<!tpu.dma_semaphore, #tpu.memory_space<semaphore_mem>>
        %dma_start3A = arith.constant 0 : i32
        %dma_start3A_29 = tpu.memref_slice %arg14[%mul3A_2, %dma_start3A] : memref<5008x128xf32, #tpu.memory_space<vmem_shared>> -> memref<312x128xf32, #tpu.memory_space<vmem_shared>>
        %dma_start3A_30 = arith.constant 0 : i32
        %dma_start3A_31 = tpu.memref_slice %arg5[%mul3A_2, %dma_start3A_30] : memref<10000x128xf32, #tpu.memory_space<hbm>> -> memref<312x128xf32, #tpu.memory_space<hbm>>
        tpu.enqueue_dma source(%dma_start3A_31 : memref<312x128xf32, #tpu.memory_space<hbm>>) target(%dma_start3A_29 : memref<312x128xf32, #tpu.memory_space<vmem_shared>>) target_semaphore(%run_scoped3A : memref<!tpu.dma_semaphore, #tpu.memory_space<semaphore_mem>>)
        %dma_wait3A = arith.constant 0 : i32
        %dma_wait3A_32 = tpu.memref_slice %arg14[%mul3A_2, %dma_wait3A] : memref<5008x128xf32, #tpu.memory_space<vmem_shared>> -> memref<312x128xf32, #tpu.memory_space<vmem_shared>>
        %dma_wait3A_33 = arith.constant 0 : i32
        %dma_wait3A_34 = tpu.memref_slice %arg5[%mul3A_2, %dma_wait3A_33] : memref<10000x128xf32, #tpu.memory_space<hbm>> -> memref<312x128xf32, #tpu.memory_space<hbm>>
        tpu.wait_dma2 semaphore(%run_scoped3A : memref<!tpu.dma_semaphore, #tpu.memory_space<semaphore_mem>>) src(%dma_wait3A_34 : memref<312x128xf32, #tpu.memory_space<hbm>>) dst(%dma_wait3A_32 : memref<312x128xf32, #tpu.memory_space<vmem_shared>>)
        tpu.yield
      }) : () -> ()
      "tpu.region"() ({
        %run_scoped3A = tpu.sem_alloc : memref<!tpu.dma_semaphore, #tpu.memory_space<semaphore_mem>>
        %dma_start3A = arith.constant 0 : i32
        %dma_start3A_29 = tpu.memref_slice %arg15[%mul3A_2, %dma_start3A] : memref<5008x16xf32, #tpu.memory_space<vmem_shared>> -> memref<312x16xf32, #tpu.memory_space<vmem_shared>>
        %dma_start3A_30 = arith.constant 0 : i32
        %dma_start3A_31 = tpu.memref_slice %arg6[%mul3A_2, %dma_start3A_30] : memref<10000x16xf32, #tpu.memory_space<hbm>> -> memref<312x16xf32, #tpu.memory_space<hbm>>
        tpu.enqueue_dma source(%dma_start3A_31 : memref<312x16xf32, #tpu.memory_space<hbm>>) target(%dma_start3A_29 : memref<312x16xf32, #tpu.memory_space<vmem_shared>>) target_semaphore(%run_scoped3A : memref<!tpu.dma_semaphore, #tpu.memory_space<semaphore_mem>>)
        %dma_wait3A = arith.constant 0 : i32
        %dma_wait3A_32 = tpu.memref_slice %arg15[%mul3A_2, %dma_wait3A] : memref<5008x16xf32, #tpu.memory_space<vmem_shared>> -> memref<312x16xf32, #tpu.memory_space<vmem_shared>>
        %dma_wait3A_33 = arith.constant 0 : i32
        %dma_wait3A_34 = tpu.memref_slice %arg6[%mul3A_2, %dma_wait3A_33] : memref<10000x16xf32, #tpu.memory_space<hbm>> -> memref<312x16xf32, #tpu.memory_space<hbm>>
        tpu.wait_dma2 semaphore(%run_scoped3A : memref<!tpu.dma_semaphore, #tpu.memory_space<semaphore_mem>>) src(%dma_wait3A_34 : memref<312x16xf32, #tpu.memory_space<hbm>>) dst(%dma_wait3A_32 : memref<312x16xf32, #tpu.memory_space<vmem_shared>>)
        tpu.yield
      }) : () -> ()
    } else {
    }
    %eq3A = arith.constant 15 : i32
    %eq3A_5 = arith.cmpi eq, %arg1, %eq3A : i32
    %convert_element_type3A_6 = arith.extui %eq3A_5 : i1 to i32
    %cond3A_7 = arith.constant 0 : i32
    %cond3A_8 = arith.cmpi ne, %convert_element_type3A_6, %cond3A_7 : i32
    scf.if %cond3A_8 {
      "tpu.region"() ({
        %run_scoped3A = tpu.sem_alloc : memref<!tpu.dma_semaphore, #tpu.memory_space<semaphore_mem>>
        %dma_start3A = arith.constant 0 : i32
        %dma_start3A_29 = tpu.memref_slice %arg14[%mul3A_2, %dma_start3A] : memref<5008x128xf32, #tpu.memory_space<vmem_shared>> -> memref<328x128xf32, #tpu.memory_space<vmem_shared>>
        %dma_start3A_30 = arith.constant 0 : i32
        %dma_start3A_31 = tpu.memref_slice %arg5[%mul3A_2, %dma_start3A_30] : memref<10000x128xf32, #tpu.memory_space<hbm>> -> memref<328x128xf32, #tpu.memory_space<hbm>>
        tpu.enqueue_dma source(%dma_start3A_31 : memref<328x128xf32, #tpu.memory_space<hbm>>) target(%dma_start3A_29 : memref<328x128xf32, #tpu.memory_space<vmem_shared>>) target_semaphore(%run_scoped3A : memref<!tpu.dma_semaphore, #tpu.memory_space<semaphore_mem>>)
        %dma_wait3A = arith.constant 0 : i32
        %dma_wait3A_32 = tpu.memref_slice %arg14[%mul3A_2, %dma_wait3A] : memref<5008x128xf32, #tpu.memory_space<vmem_shared>> -> memref<328x128xf32, #tpu.memory_space<vmem_shared>>
        %dma_wait3A_33 = arith.constant 0 : i32
        %dma_wait3A_34 = tpu.memref_slice %arg5[%mul3A_2, %dma_wait3A_33] : memref<10000x128xf32, #tpu.memory_space<hbm>> -> memref<328x128xf32, #tpu.memory_space<hbm>>
        tpu.wait_dma2 semaphore(%run_scoped3A : memref<!tpu.dma_semaphore, #tpu.memory_space<semaphore_mem>>) src(%dma_wait3A_34 : memref<328x128xf32, #tpu.memory_space<hbm>>) dst(%dma_wait3A_32 : memref<328x128xf32, #tpu.memory_space<vmem_shared>>)
        tpu.yield
      }) : () -> ()
      "tpu.region"() ({
        %run_scoped3A = tpu.sem_alloc : memref<!tpu.dma_semaphore, #tpu.memory_space<semaphore_mem>>
        %dma_start3A = arith.constant 0 : i32
        %dma_start3A_29 = tpu.memref_slice %arg15[%mul3A_2, %dma_start3A] : memref<5008x16xf32, #tpu.memory_space<vmem_shared>> -> memref<328x16xf32, #tpu.memory_space<vmem_shared>>
        %dma_start3A_30 = arith.constant 0 : i32
        %dma_start3A_31 = tpu.memref_slice %arg6[%mul3A_2, %dma_start3A_30] : memref<10000x16xf32, #tpu.memory_space<hbm>> -> memref<328x16xf32, #tpu.memory_space<hbm>>
        tpu.enqueue_dma source(%dma_start3A_31 : memref<328x16xf32, #tpu.memory_space<hbm>>) target(%dma_start3A_29 : memref<328x16xf32, #tpu.memory_space<vmem_shared>>) target_semaphore(%run_scoped3A : memref<!tpu.dma_semaphore, #tpu.memory_space<semaphore_mem>>)
        %dma_wait3A = arith.constant 0 : i32
        %dma_wait3A_32 = tpu.memref_slice %arg15[%mul3A_2, %dma_wait3A] : memref<5008x16xf32, #tpu.memory_space<vmem_shared>> -> memref<328x16xf32, #tpu.memory_space<vmem_shared>>
        %dma_wait3A_33 = arith.constant 0 : i32
        %dma_wait3A_34 = tpu.memref_slice %arg6[%mul3A_2, %dma_wait3A_33] : memref<10000x16xf32, #tpu.memory_space<hbm>> -> memref<328x16xf32, #tpu.memory_space<hbm>>
        tpu.wait_dma2 semaphore(%run_scoped3A : memref<!tpu.dma_semaphore, #tpu.memory_space<semaphore_mem>>) src(%dma_wait3A_34 : memref<328x16xf32, #tpu.memory_space<hbm>>) dst(%dma_wait3A_32 : memref<328x16xf32, #tpu.memory_space<vmem_shared>>)
        tpu.yield
      }) : () -> ()
    } else {
    }
    %barrier3A = arith.constant 0 : index
    tpu.barrier barrier_id(%barrier3A)
    %scan3A = arith.constant 0 : i32
    %scan3A_9 = arith.constant 0 : i32
    %scan3A_10 = arith.constant 157 : i32
    %scan3A_11 = arith.addi %scan3A_9, %scan3A_10 : i32
    %scan3A_12 = arith.constant 1 : i32
    scf.for %scan3A_29 = %scan3A_9 to %scan3A_11 step %scan3A_12  : i32 {
      %mul3A_30 = arith.constant 16 : i32
      %mul3A_31 = arith.muli %scan3A_29, %mul3A_30 : i32
      %add3A = arith.addi %mul3A_31, %arg1 : i32
      %lt3A_32 = arith.constant 2500 : i32
      %lt3A_33 = arith.cmpi slt, %add3A, %lt3A_32 : i32
      %convert_element_type3A_34 = arith.extui %lt3A_33 : i1 to i32
      %cond3A_35 = arith.constant 0 : i32
      %cond3A_36 = arith.cmpi ne, %convert_element_type3A_34, %cond3A_35 : i32
      scf.if %cond3A_36 {
        %mul3A_37 = arith.constant 128 : i32
        %mul3A_38 = arith.muli %add3A, %mul3A_37 : i32
        "tpu.region"() ({
          %run_scoped3A = tpu.sem_alloc : memref<!tpu.dma_semaphore, #tpu.memory_space<semaphore_mem>>
          %dma_start3A_63 = arith.constant 0 : i32
          %dma_start3A_64 = arith.constant 0 : i32
          %dma_start3A_65 = tpu.memref_slice %arg2[%add3A, %dma_start3A_63, %dma_start3A_64] : memref<2500x3x128xi32, #tpu.memory_space<hbm>> -> memref<1x3x128xi32, #tpu.memory_space<hbm>>
          %dma_start3A_66 = tpu.memref_squeeze %dma_start3A_65 : memref<1x3x128xi32, #tpu.memory_space<hbm>> -> memref<3x128xi32, #tpu.memory_space<hbm>>
          %dma_start3A_67 = arith.constant 0 : i32
          %dma_start3A_68 = arith.constant 0 : i32
          %dma_start3A_69 = tpu.memref_slice %arg2[%add3A, %dma_start3A_67, %dma_start3A_68] : memref<2500x3x128xi32, #tpu.memory_space<hbm>> -> memref<1x3x128xi32, #tpu.memory_space<hbm>>
          %dma_start3A_70 = tpu.memref_squeeze %dma_start3A_69 : memref<1x3x128xi32, #tpu.memory_space<hbm>> -> memref<3x128xi32, #tpu.memory_space<hbm>>
          tpu.enqueue_dma source(%dma_start3A_70 : memref<3x128xi32, #tpu.memory_space<hbm>>) target(%arg9 : memref<3x128xi32, #tpu.memory_space<vmem>>) target_semaphore(%run_scoped3A : memref<!tpu.dma_semaphore, #tpu.memory_space<semaphore_mem>>)
          %dma_wait3A_71 = arith.constant 0 : i32
          %dma_wait3A_72 = arith.constant 0 : i32
          %dma_wait3A_73 = tpu.memref_slice %arg2[%add3A, %dma_wait3A_71, %dma_wait3A_72] : memref<2500x3x128xi32, #tpu.memory_space<hbm>> -> memref<1x3x128xi32, #tpu.memory_space<hbm>>
          %dma_wait3A_74 = tpu.memref_squeeze %dma_wait3A_73 : memref<1x3x128xi32, #tpu.memory_space<hbm>> -> memref<3x128xi32, #tpu.memory_space<hbm>>
          %dma_wait3A_75 = arith.constant 0 : i32
          %dma_wait3A_76 = arith.constant 0 : i32
          %dma_wait3A_77 = tpu.memref_slice %arg2[%add3A, %dma_wait3A_75, %dma_wait3A_76] : memref<2500x3x128xi32, #tpu.memory_space<hbm>> -> memref<1x3x128xi32, #tpu.memory_space<hbm>>
          %dma_wait3A_78 = tpu.memref_squeeze %dma_wait3A_77 : memref<1x3x128xi32, #tpu.memory_space<hbm>> -> memref<3x128xi32, #tpu.memory_space<hbm>>
          tpu.wait_dma2 semaphore(%run_scoped3A : memref<!tpu.dma_semaphore, #tpu.memory_space<semaphore_mem>>) src(%dma_wait3A_78 : memref<3x128xi32, #tpu.memory_space<hbm>>) dst(%arg9 : memref<3x128xi32, #tpu.memory_space<vmem>>)
          tpu.yield
        }) : () -> ()
        %dma_start3A = arith.constant 0 : i32
        %dma_start3A_39 = arith.constant 0 : i32
        %dma_start3A_40 = tpu.memref_slice %arg9[%dma_start3A, %dma_start3A_39] : memref<3x128xi32, #tpu.memory_space<vmem>> -> memref<1x128xi32, #tpu.memory_space<vmem>>
        %dma_start3A_41 = tpu.memref_squeeze %dma_start3A_40 : memref<1x128xi32, #tpu.memory_space<vmem>> -> memref<128xi32, #tpu.memory_space<vmem>>
        %dma_start3A_42 = arith.constant 0 : i32
        %dma_start3A_43 = arith.constant 0 : i32
        %dma_start3A_44 = tpu.memref_slice %arg3[%dma_start3A_42, %dma_start3A_43] : memref<10000x128xf32, #tpu.memory_space<hbm>> -> memref<10000x128xf32, #tpu.memory_space<hbm>>
        tpu.enqueue_indirect_dma source(%dma_start3A_44 : memref<10000x128xf32, #tpu.memory_space<hbm>>) target(%arg11 : memref<128x128xf32, #tpu.memory_space<vmem>>) offsets(%dma_start3A_41 : memref<128xi32, #tpu.memory_space<vmem>>) semaphore(%arg16 : memref<!tpu.dma_semaphore, #tpu.memory_space<semaphore_mem>>)
        %dma_wait3A = arith.constant 0 : i32
        %dma_wait3A_45 = arith.constant 0 : i32
        %dma_wait3A_46 = tpu.memref_slice %arg9[%dma_wait3A, %dma_wait3A_45] : memref<3x128xi32, #tpu.memory_space<vmem>> -> memref<1x128xi32, #tpu.memory_space<vmem>>
        %dma_wait3A_47 = tpu.memref_squeeze %dma_wait3A_46 : memref<1x128xi32, #tpu.memory_space<vmem>> -> memref<128xi32, #tpu.memory_space<vmem>>
        %dma_wait3A_48 = arith.constant 0 : i32
        %dma_wait3A_49 = arith.constant 0 : i32
        %dma_wait3A_50 = tpu.memref_slice %arg3[%dma_wait3A_48, %dma_wait3A_49] : memref<10000x128xf32, #tpu.memory_space<hbm>> -> memref<10000x128xf32, #tpu.memory_space<hbm>>
        tpu.wait_indirect_dma semaphore(%arg16 : memref<!tpu.dma_semaphore, #tpu.memory_space<semaphore_mem>>) src(%dma_wait3A_50 : memref<10000x128xf32, #tpu.memory_space<hbm>>) dst(%arg11 : memref<128x128xf32, #tpu.memory_space<vmem>>)
        "tpu.region"() ({
          %run_scoped3A = tpu.sem_alloc : memref<!tpu.dma_semaphore, #tpu.memory_space<semaphore_mem>>
          %dma_start3A_63 = arith.constant 0 : i32
          %dma_start3A_64 = tpu.memref_slice %arg4[%mul3A_38, %dma_start3A_63] : memref<320000x16xf32, #tpu.memory_space<hbm>> -> memref<128x16xf32, #tpu.memory_space<hbm>>
          %dma_start3A_65 = arith.constant 0 : i32
          %dma_start3A_66 = tpu.memref_slice %arg4[%mul3A_38, %dma_start3A_65] : memref<320000x16xf32, #tpu.memory_space<hbm>> -> memref<128x16xf32, #tpu.memory_space<hbm>>
          tpu.enqueue_dma source(%dma_start3A_66 : memref<128x16xf32, #tpu.memory_space<hbm>>) target(%arg13 : memref<128x16xf32, #tpu.memory_space<vmem>>) target_semaphore(%run_scoped3A : memref<!tpu.dma_semaphore, #tpu.memory_space<semaphore_mem>>)
          %dma_wait3A_67 = arith.constant 0 : i32
          %dma_wait3A_68 = tpu.memref_slice %arg4[%mul3A_38, %dma_wait3A_67] : memref<320000x16xf32, #tpu.memory_space<hbm>> -> memref<128x16xf32, #tpu.memory_space<hbm>>
          %dma_wait3A_69 = arith.constant 0 : i32
          %dma_wait3A_70 = tpu.memref_slice %arg4[%mul3A_38, %dma_wait3A_69] : memref<320000x16xf32, #tpu.memory_space<hbm>> -> memref<128x16xf32, #tpu.memory_space<hbm>>
          tpu.wait_dma2 semaphore(%run_scoped3A : memref<!tpu.dma_semaphore, #tpu.memory_space<semaphore_mem>>) src(%dma_wait3A_70 : memref<128x16xf32, #tpu.memory_space<hbm>>) dst(%arg13 : memref<128x16xf32, #tpu.memory_space<vmem>>)
          tpu.yield
        }) : () -> ()
        %scan3A_51 = arith.constant 0 : i32
        %scan3A_52 = arith.constant 0 : i32
        %scan3A_53 = arith.constant 8 : i32
        %scan3A_54 = arith.addi %scan3A_52, %scan3A_53 : i32
        %scan3A_55 = arith.constant 1 : i32
        scf.for %scan3A_63 = %scan3A_52 to %scan3A_54 step %scan3A_55  : i32 {
          %mul3A_64 = arith.constant 16 : i32
          %mul3A_65 = arith.muli %scan3A_63, %mul3A_64 : i32
          %get3A = arith.constant 2 : i32
          %get3A_66 = arith.index_cast %get3A : i32 to index
          %get3A_67 = arith.index_cast %mul3A_65 : i32 to index
          %get3A_68 = tpu.vector_load %arg9[%get3A_66, %get3A_67] {strides = array<i32>} : memref<3x128xi32, #tpu.memory_space<vmem>>, vector<1x16xi32>,
          %get3A_69 = vector.shape_cast %get3A_68 : vector<1x16xi32> to vector<16xi32>
          %sub3A = vector.broadcast %mul3A_0 : i32 to vector<16xi32>
          %sub3A_70 = arith.subi %get3A_69, %sub3A : vector<16xi32>
          %ge3A = arith.constant 0 : i32
          %ge3A_71 = vector.broadcast %ge3A : i32 to vector<16xi32>
          %ge3A_72 = arith.cmpi sge, %sub3A_70, %ge3A_71 : vector<16xi32>
          %lt3A_73 = arith.constant 5000 : i32
          %lt3A_74 = vector.broadcast %lt3A_73 : i32 to vector<16xi32>
          %lt3A_75 = arith.cmpi slt, %sub3A_70, %lt3A_74 : vector<16xi32>
          %and3A = arith.andi %ge3A_72, %lt3A_75 : vector<16xi1>
          %jit3A = arith.constant 5000 : i32
          %broadcast_in_dim3A = vector.broadcast %jit3A : i32 to vector<16xi32>
          %select_n3A = arith.select %and3A, %sub3A_70, %broadcast_in_dim3A : vector<16xi1>, vector<16xi32>
          %swap3A = arith.index_cast %mul3A_65 : i32 to index
          %swap3A_76 = tpu.vector_load %arg10[%swap3A] {strides = array<i32>} : memref<128xi32, #tpu.memory_space<vmem>>, vector<16xi32>,
          %swap3A_77 = vector.shape_cast %swap3A_76 : vector<16xi32> to vector<16xi32>
          %swap3A_78 = vector.shape_cast %select_n3A : vector<16xi32> to vector<16xi32>
          tpu.vector_store %arg10[%swap3A], %swap3A_78 {strides = array<i32>} : memref<128xi32, #tpu.memory_space<vmem>>, vector<16xi32>,
        }
        %scan3A_56 = arith.constant 8 : i32
        %scan3A_57 = arith.constant 0 : i32
        %scan3A_58 = arith.constant 0 : i32
        %scan3A_59 = arith.constant 128 : i32
        %scan3A_60 = arith.addi %scan3A_58, %scan3A_59 : i32
        %scan3A_61 = arith.constant 1 : i32
        scf.for %scan3A_63 = %scan3A_58 to %scan3A_60 step %scan3A_61  : i32 {
          %get3A = arith.index_cast %scan3A_63 : i32 to index
          %get3A_64 = arith.constant 0 : index
          %get3A_65 = tpu.vector_load %arg13[%get3A, %get3A_64] {strides = array<i32>} : memref<128x16xf32, #tpu.memory_space<vmem>>, vector<1x16xf32>,
          %get3A_66 = vector.shape_cast %get3A_65 : vector<1x16xf32> to vector<16xf32>
          %get3A_67 = arith.index_cast %scan3A_63 : i32 to index
          %get3A_68 = arith.constant 0 : index
          %get3A_69 = tpu.vector_load %arg11[%get3A_67, %get3A_68] {strides = array<i32>} : memref<128x128xf32, #tpu.memory_space<vmem>>, vector<1x16xf32>,
          %get3A_70 = vector.shape_cast %get3A_69 : vector<1x16xf32> to vector<16xf32>
          %mul3A_71 = arith.mulf %get3A_66, %get3A_70 : vector<16xf32>
          %swap3A = arith.index_cast %scan3A_63 : i32 to index
          %swap3A_72 = arith.constant 0 : index
          %swap3A_73 = tpu.vector_load %arg12[%swap3A, %swap3A_72] {strides = array<i32>} : memref<128x128xf32, #tpu.memory_space<vmem>>, vector<1x16xf32>,
          %swap3A_74 = vector.shape_cast %swap3A_73 : vector<1x16xf32> to vector<16xf32>
          %swap3A_75 = vector.shape_cast %mul3A_71 : vector<16xf32> to vector<1x16xf32>
          tpu.vector_store %arg12[%swap3A, %swap3A_72], %swap3A_75 {strides = array<i32>} : memref<128x128xf32, #tpu.memory_space<vmem>>, vector<1x16xf32>,
          %get3A_76 = arith.index_cast %scan3A_63 : i32 to index
          %get3A_77 = arith.constant 16 : index
          %get3A_78 = tpu.vector_load %arg11[%get3A_76, %get3A_77] {strides = array<i32>} : memref<128x128xf32, #tpu.memory_space<vmem>>, vector<1x16xf32>,
          %get3A_79 = vector.shape_cast %get3A_78 : vector<1x16xf32> to vector<16xf32>
          %mul3A_80 = arith.mulf %get3A_66, %get3A_79 : vector<16xf32>
          %swap3A_81 = arith.index_cast %scan3A_63 : i32 to index
          %swap3A_82 = arith.constant 16 : index
          %swap3A_83 = tpu.vector_load %arg12[%swap3A_81, %swap3A_82] {strides = array<i32>} : memref<128x128xf32, #tpu.memory_space<vmem>>, vector<1x16xf32>,
          %swap3A_84 = vector.shape_cast %swap3A_83 : vector<1x16xf32> to vector<16xf32>
          %swap3A_85 = vector.shape_cast %mul3A_80 : vector<16xf32> to vector<1x16xf32>
          tpu.vector_store %arg12[%swap3A_81, %swap3A_82], %swap3A_85 {strides = array<i32>} : memref<128x128xf32, #tpu.memory_space<vmem>>, vector<1x16xf32>,
          %get3A_86 = arith.index_cast %scan3A_63 : i32 to index
          %get3A_87 = arith.constant 32 : index
          %get3A_88 = tpu.vector_load %arg11[%get3A_86, %get3A_87] {strides = array<i32>} : memref<128x128xf32, #tpu.memory_space<vmem>>, vector<1x16xf32>,
          %get3A_89 = vector.shape_cast %get3A_88 : vector<1x16xf32> to vector<16xf32>
          %mul3A_90 = arith.mulf %get3A_66, %get3A_89 : vector<16xf32>
          %swap3A_91 = arith.index_cast %scan3A_63 : i32 to index
          %swap3A_92 = arith.constant 32 : index
          %swap3A_93 = tpu.vector_load %arg12[%swap3A_91, %swap3A_92] {strides = array<i32>} : memref<128x128xf32, #tpu.memory_space<vmem>>, vector<1x16xf32>,
          %swap3A_94 = vector.shape_cast %swap3A_93 : vector<1x16xf32> to vector<16xf32>
          %swap3A_95 = vector.shape_cast %mul3A_90 : vector<16xf32> to vector<1x16xf32>
          tpu.vector_store %arg12[%swap3A_91, %swap3A_92], %swap3A_95 {strides = array<i32>} : memref<128x128xf32, #tpu.memory_space<vmem>>, vector<1x16xf32>,
          %get3A_96 = arith.index_cast %scan3A_63 : i32 to index
          %get3A_97 = arith.constant 48 : index
          %get3A_98 = tpu.vector_load %arg11[%get3A_96, %get3A_97] {strides = array<i32>} : memref<128x128xf32, #tpu.memory_space<vmem>>, vector<1x16xf32>,
          %get3A_99 = vector.shape_cast %get3A_98 : vector<1x16xf32> to vector<16xf32>
          %mul3A_100 = arith.mulf %get3A_66, %get3A_99 : vector<16xf32>
          %swap3A_101 = arith.index_cast %scan3A_63 : i32 to index
          %swap3A_102 = arith.constant 48 : index
          %swap3A_103 = tpu.vector_load %arg12[%swap3A_101, %swap3A_102] {strides = array<i32>} : memref<128x128xf32, #tpu.memory_space<vmem>>, vector<1x16xf32>,
          %swap3A_104 = vector.shape_cast %swap3A_103 : vector<1x16xf32> to vector<16xf32>
          %swap3A_105 = vector.shape_cast %mul3A_100 : vector<16xf32> to vector<1x16xf32>
          tpu.vector_store %arg12[%swap3A_101, %swap3A_102], %swap3A_105 {strides = array<i32>} : memref<128x128xf32, #tpu.memory_space<vmem>>, vector<1x16xf32>,
          %get3A_106 = arith.index_cast %scan3A_63 : i32 to index
          %get3A_107 = arith.constant 64 : index
          %get3A_108 = tpu.vector_load %arg11[%get3A_106, %get3A_107] {strides = array<i32>} : memref<128x128xf32, #tpu.memory_space<vmem>>, vector<1x16xf32>,
          %get3A_109 = vector.shape_cast %get3A_108 : vector<1x16xf32> to vector<16xf32>
          %mul3A_110 = arith.mulf %get3A_66, %get3A_109 : vector<16xf32>
          %swap3A_111 = arith.index_cast %scan3A_63 : i32 to index
          %swap3A_112 = arith.constant 64 : index
          %swap3A_113 = tpu.vector_load %arg12[%swap3A_111, %swap3A_112] {strides = array<i32>} : memref<128x128xf32, #tpu.memory_space<vmem>>, vector<1x16xf32>,
          %swap3A_114 = vector.shape_cast %swap3A_113 : vector<1x16xf32> to vector<16xf32>
          %swap3A_115 = vector.shape_cast %mul3A_110 : vector<16xf32> to vector<1x16xf32>
          tpu.vector_store %arg12[%swap3A_111, %swap3A_112], %swap3A_115 {strides = array<i32>} : memref<128x128xf32, #tpu.memory_space<vmem>>, vector<1x16xf32>,
          %get3A_116 = arith.index_cast %scan3A_63 : i32 to index
          %get3A_117 = arith.constant 80 : index
          %get3A_118 = tpu.vector_load %arg11[%get3A_116, %get3A_117] {strides = array<i32>} : memref<128x128xf32, #tpu.memory_space<vmem>>, vector<1x16xf32>,
          %get3A_119 = vector.shape_cast %get3A_118 : vector<1x16xf32> to vector<16xf32>
          %mul3A_120 = arith.mulf %get3A_66, %get3A_119 : vector<16xf32>
          %swap3A_121 = arith.index_cast %scan3A_63 : i32 to index
          %swap3A_122 = arith.constant 80 : index
          %swap3A_123 = tpu.vector_load %arg12[%swap3A_121, %swap3A_122] {strides = array<i32>} : memref<128x128xf32, #tpu.memory_space<vmem>>, vector<1x16xf32>,
          %swap3A_124 = vector.shape_cast %swap3A_123 : vector<1x16xf32> to vector<16xf32>
          %swap3A_125 = vector.shape_cast %mul3A_120 : vector<16xf32> to vector<1x16xf32>
          tpu.vector_store %arg12[%swap3A_121, %swap3A_122], %swap3A_125 {strides = array<i32>} : memref<128x128xf32, #tpu.memory_space<vmem>>, vector<1x16xf32>,
          %get3A_126 = arith.index_cast %scan3A_63 : i32 to index
          %get3A_127 = arith.constant 96 : index
          %get3A_128 = tpu.vector_load %arg11[%get3A_126, %get3A_127] {strides = array<i32>} : memref<128x128xf32, #tpu.memory_space<vmem>>, vector<1x16xf32>,
          %get3A_129 = vector.shape_cast %get3A_128 : vector<1x16xf32> to vector<16xf32>
          %mul3A_130 = arith.mulf %get3A_66, %get3A_129 : vector<16xf32>
          %swap3A_131 = arith.index_cast %scan3A_63 : i32 to index
          %swap3A_132 = arith.constant 96 : index
          %swap3A_133 = tpu.vector_load %arg12[%swap3A_131, %swap3A_132] {strides = array<i32>} : memref<128x128xf32, #tpu.memory_space<vmem>>, vector<1x16xf32>,
          %swap3A_134 = vector.shape_cast %swap3A_133 : vector<1x16xf32> to vector<16xf32>
          %swap3A_135 = vector.shape_cast %mul3A_130 : vector<16xf32> to vector<1x16xf32>
          tpu.vector_store %arg12[%swap3A_131, %swap3A_132], %swap3A_135 {strides = array<i32>} : memref<128x128xf32, #tpu.memory_space<vmem>>, vector<1x16xf32>,
          %get3A_136 = arith.index_cast %scan3A_63 : i32 to index
          %get3A_137 = arith.constant 112 : index
          %get3A_138 = tpu.vector_load %arg11[%get3A_136, %get3A_137] {strides = array<i32>} : memref<128x128xf32, #tpu.memory_space<vmem>>, vector<1x16xf32>,
          %get3A_139 = vector.shape_cast %get3A_138 : vector<1x16xf32> to vector<16xf32>
          %mul3A_140 = arith.mulf %get3A_66, %get3A_139 : vector<16xf32>
          %swap3A_141 = arith.index_cast %scan3A_63 : i32 to index
          %swap3A_142 = arith.constant 112 : index
          %swap3A_143 = tpu.vector_load %arg12[%swap3A_141, %swap3A_142] {strides = array<i32>} : memref<128x128xf32, #tpu.memory_space<vmem>>, vector<1x16xf32>,
          %swap3A_144 = vector.shape_cast %swap3A_143 : vector<1x16xf32> to vector<16xf32>
          %swap3A_145 = vector.shape_cast %mul3A_140 : vector<16xf32> to vector<1x16xf32>
          tpu.vector_store %arg12[%swap3A_141, %swap3A_142], %swap3A_145 {strides = array<i32>} : memref<128x128xf32, #tpu.memory_space<vmem>>, vector<1x16xf32>,
        }
        %scan3A_62 = arith.constant 128 : i32
        "tpu.region"() ({
          %run_scoped3A = tpu.sem_alloc : memref<!tpu.dma_semaphore, #tpu.memory_space<semaphore_mem>>
          %dma_start3A_63 = arith.constant 0 : i32
          %dma_start3A_64 = arith.constant 0 : i32
          %dma_start3A_65 = tpu.memref_slice %arg14[%dma_start3A_63, %dma_start3A_64] : memref<5008x128xf32, #tpu.memory_space<vmem_shared>> -> memref<5008x128xf32, #tpu.memory_space<vmem_shared>>
          tpu.enqueue_indirect_dma source(%arg12 : memref<128x128xf32, #tpu.memory_space<vmem>>) target(%dma_start3A_65 : memref<5008x128xf32, #tpu.memory_space<vmem_shared>>) offsets(%arg10 : memref<128xi32, #tpu.memory_space<vmem>>) semaphore(%run_scoped3A : memref<!tpu.dma_semaphore, #tpu.memory_space<semaphore_mem>>) {add = true}
          %dma_wait3A_66 = arith.constant 0 : i32
          %dma_wait3A_67 = arith.constant 0 : i32
          %dma_wait3A_68 = tpu.memref_slice %arg14[%dma_wait3A_66, %dma_wait3A_67] : memref<5008x128xf32, #tpu.memory_space<vmem_shared>> -> memref<5008x128xf32, #tpu.memory_space<vmem_shared>>
          tpu.wait_indirect_dma semaphore(%run_scoped3A : memref<!tpu.dma_semaphore, #tpu.memory_space<semaphore_mem>>) src(%arg12 : memref<128x128xf32, #tpu.memory_space<vmem>>) dst(%dma_wait3A_68 : memref<5008x128xf32, #tpu.memory_space<vmem_shared>>)
          tpu.yield
        }) : () -> ()
        "tpu.region"() ({
          %run_scoped3A = tpu.sem_alloc : memref<!tpu.dma_semaphore, #tpu.memory_space<semaphore_mem>>
          %dma_start3A_63 = arith.constant 0 : i32
          %dma_start3A_64 = arith.constant 0 : i32
          %dma_start3A_65 = tpu.memref_slice %arg15[%dma_start3A_63, %dma_start3A_64] : memref<5008x16xf32, #tpu.memory_space<vmem_shared>> -> memref<5008x16xf32, #tpu.memory_space<vmem_shared>>
          tpu.enqueue_indirect_dma source(%arg13 : memref<128x16xf32, #tpu.memory_space<vmem>>) target(%dma_start3A_65 : memref<5008x16xf32, #tpu.memory_space<vmem_shared>>) offsets(%arg10 : memref<128xi32, #tpu.memory_space<vmem>>) semaphore(%run_scoped3A : memref<!tpu.dma_semaphore, #tpu.memory_space<semaphore_mem>>) {add = true}
          %dma_wait3A_66 = arith.constant 0 : i32
          %dma_wait3A_67 = arith.constant 0 : i32
          %dma_wait3A_68 = tpu.memref_slice %arg15[%dma_wait3A_66, %dma_wait3A_67] : memref<5008x16xf32, #tpu.memory_space<vmem_shared>> -> memref<5008x16xf32, #tpu.memory_space<vmem_shared>>
          tpu.wait_indirect_dma semaphore(%run_scoped3A : memref<!tpu.dma_semaphore, #tpu.memory_space<semaphore_mem>>) src(%arg13 : memref<128x16xf32, #tpu.memory_space<vmem>>) dst(%dma_wait3A_68 : memref<5008x16xf32, #tpu.memory_space<vmem_shared>>)
          tpu.yield
        }) : () -> ()
      } else {
      }
    }
    %scan3A_13 = arith.constant 157 : i32
    %barrier3A_14 = arith.constant 0 : index
    tpu.barrier barrier_id(%barrier3A_14)
    %mul3A_15 = arith.constant 5000 : i32
    %mul3A_16 = arith.muli %arg0, %mul3A_15 : i32
    %mul3A_17 = arith.constant 312 : i32
    %mul3A_18 = arith.muli %arg1, %mul3A_17 : i32
    %lt3A_19 = arith.constant 15 : i32
    %lt3A_20 = arith.cmpi slt, %arg1, %lt3A_19 : i32
    %convert_element_type3A_21 = arith.extui %lt3A_20 : i1 to i32
    %cond3A_22 = arith.constant 0 : i32
    %cond3A_23 = arith.cmpi ne, %convert_element_type3A_21, %cond3A_22 : i32
    scf.if %cond3A_23 {
      %add3A = arith.addi %mul3A_16, %mul3A_18 : i32
      "tpu.region"() ({
        %run_scoped3A = tpu.sem_alloc : memref<!tpu.dma_semaphore, #tpu.memory_space<semaphore_mem>>
        %dma_start3A = arith.constant 0 : i32
        %dma_start3A_30 = tpu.memref_slice %arg7[%add3A, %dma_start3A] : memref<10000x128xf32, #tpu.memory_space<hbm>> -> memref<312x128xf32, #tpu.memory_space<hbm>>
        %dma_start3A_31 = arith.constant 0 : i32
        %dma_start3A_32 = tpu.memref_slice %arg14[%mul3A_18, %dma_start3A_31] : memref<5008x128xf32, #tpu.memory_space<vmem_shared>> -> memref<312x128xf32, #tpu.memory_space<vmem_shared>>
        tpu.enqueue_dma source(%dma_start3A_32 : memref<312x128xf32, #tpu.memory_space<vmem_shared>>) target(%dma_start3A_30 : memref<312x128xf32, #tpu.memory_space<hbm>>) target_semaphore(%run_scoped3A : memref<!tpu.dma_semaphore, #tpu.memory_space<semaphore_mem>>)
        %dma_wait3A = arith.constant 0 : i32
        %dma_wait3A_33 = tpu.memref_slice %arg7[%add3A, %dma_wait3A] : memref<10000x128xf32, #tpu.memory_space<hbm>> -> memref<312x128xf32, #tpu.memory_space<hbm>>
        %dma_wait3A_34 = arith.constant 0 : i32
        %dma_wait3A_35 = tpu.memref_slice %arg14[%mul3A_18, %dma_wait3A_34] : memref<5008x128xf32, #tpu.memory_space<vmem_shared>> -> memref<312x128xf32, #tpu.memory_space<vmem_shared>>
        tpu.wait_dma2 semaphore(%run_scoped3A : memref<!tpu.dma_semaphore, #tpu.memory_space<semaphore_mem>>) src(%dma_wait3A_35 : memref<312x128xf32, #tpu.memory_space<vmem_shared>>) dst(%dma_wait3A_33 : memref<312x128xf32, #tpu.memory_space<hbm>>)
        tpu.yield
      }) : () -> ()
      %add3A_29 = arith.addi %mul3A_16, %mul3A_18 : i32
      "tpu.region"() ({
        %run_scoped3A = tpu.sem_alloc : memref<!tpu.dma_semaphore, #tpu.memory_space<semaphore_mem>>
        %dma_start3A = arith.constant 0 : i32
        %dma_start3A_30 = tpu.memref_slice %arg8[%add3A_29, %dma_start3A] : memref<10000x16xf32, #tpu.memory_space<hbm>> -> memref<312x16xf32, #tpu.memory_space<hbm>>
        %dma_start3A_31 = arith.constant 0 : i32
        %dma_start3A_32 = tpu.memref_slice %arg15[%mul3A_18, %dma_start3A_31] : memref<5008x16xf32, #tpu.memory_space<vmem_shared>> -> memref<312x16xf32, #tpu.memory_space<vmem_shared>>
        tpu.enqueue_dma source(%dma_start3A_32 : memref<312x16xf32, #tpu.memory_space<vmem_shared>>) target(%dma_start3A_30 : memref<312x16xf32, #tpu.memory_space<hbm>>) target_semaphore(%run_scoped3A : memref<!tpu.dma_semaphore, #tpu.memory_space<semaphore_mem>>)
        %dma_wait3A = arith.constant 0 : i32
        %dma_wait3A_33 = tpu.memref_slice %arg8[%add3A_29, %dma_wait3A] : memref<10000x16xf32, #tpu.memory_space<hbm>> -> memref<312x16xf32, #tpu.memory_space<hbm>>
        %dma_wait3A_34 = arith.constant 0 : i32
        %dma_wait3A_35 = tpu.memref_slice %arg15[%mul3A_18, %dma_wait3A_34] : memref<5008x16xf32, #tpu.memory_space<vmem_shared>> -> memref<312x16xf32, #tpu.memory_space<vmem_shared>>
        tpu.wait_dma2 semaphore(%run_scoped3A : memref<!tpu.dma_semaphore, #tpu.memory_space<semaphore_mem>>) src(%dma_wait3A_35 : memref<312x16xf32, #tpu.memory_space<vmem_shared>>) dst(%dma_wait3A_33 : memref<312x16xf32, #tpu.memory_space<hbm>>)
        tpu.yield
      }) : () -> ()
    } else {
    }
    %eq3A_24 = arith.constant 15 : i32
    %eq3A_25 = arith.cmpi eq, %arg1, %eq3A_24 : i32
    %convert_element_type3A_26 = arith.extui %eq3A_25 : i1 to i32
    %cond3A_27 = arith.constant 0 : i32
    %cond3A_28 = arith.cmpi ne, %convert_element_type3A_26, %cond3A_27 : i32
    scf.if %cond3A_28 {
      %add3A = arith.addi %mul3A_16, %mul3A_18 : i32
      "tpu.region"() ({
        %run_scoped3A = tpu.sem_alloc : memref<!tpu.dma_semaphore, #tpu.memory_space<semaphore_mem>>
        %dma_start3A = arith.constant 0 : i32
        %dma_start3A_30 = tpu.memref_slice %arg7[%add3A, %dma_start3A] : memref<10000x128xf32, #tpu.memory_space<hbm>> -> memref<320x128xf32, #tpu.memory_space<hbm>>
        %dma_start3A_31 = arith.constant 0 : i32
        %dma_start3A_32 = tpu.memref_slice %arg14[%mul3A_18, %dma_start3A_31] : memref<5008x128xf32, #tpu.memory_space<vmem_shared>> -> memref<320x128xf32, #tpu.memory_space<vmem_shared>>
        tpu.enqueue_dma source(%dma_start3A_32 : memref<320x128xf32, #tpu.memory_space<vmem_shared>>) target(%dma_start3A_30 : memref<320x128xf32, #tpu.memory_space<hbm>>) target_semaphore(%run_scoped3A : memref<!tpu.dma_semaphore, #tpu.memory_space<semaphore_mem>>)
        %dma_wait3A = arith.constant 0 : i32
        %dma_wait3A_33 = tpu.memref_slice %arg7[%add3A, %dma_wait3A] : memref<10000x128xf32, #tpu.memory_space<hbm>> -> memref<320x128xf32, #tpu.memory_space<hbm>>
        %dma_wait3A_34 = arith.constant 0 : i32
        %dma_wait3A_35 = tpu.memref_slice %arg14[%mul3A_18, %dma_wait3A_34] : memref<5008x128xf32, #tpu.memory_space<vmem_shared>> -> memref<320x128xf32, #tpu.memory_space<vmem_shared>>
        tpu.wait_dma2 semaphore(%run_scoped3A : memref<!tpu.dma_semaphore, #tpu.memory_space<semaphore_mem>>) src(%dma_wait3A_35 : memref<320x128xf32, #tpu.memory_space<vmem_shared>>) dst(%dma_wait3A_33 : memref<320x128xf32, #tpu.memory_space<hbm>>)
        tpu.yield
      }) : () -> ()
      %add3A_29 = arith.addi %mul3A_16, %mul3A_18 : i32
      "tpu.region"() ({
        %run_scoped3A = tpu.sem_alloc : memref<!tpu.dma_semaphore, #tpu.memory_space<semaphore_mem>>
        %dma_start3A = arith.constant 0 : i32
        %dma_start3A_30 = tpu.memref_slice %arg8[%add3A_29, %dma_start3A] : memref<10000x16xf32, #tpu.memory_space<hbm>> -> memref<320x16xf32, #tpu.memory_space<hbm>>
        %dma_start3A_31 = arith.constant 0 : i32
        %dma_start3A_32 = tpu.memref_slice %arg15[%mul3A_18, %dma_start3A_31] : memref<5008x16xf32, #tpu.memory_space<vmem_shared>> -> memref<320x16xf32, #tpu.memory_space<vmem_shared>>
        tpu.enqueue_dma source(%dma_start3A_32 : memref<320x16xf32, #tpu.memory_space<vmem_shared>>) target(%dma_start3A_30 : memref<320x16xf32, #tpu.memory_space<hbm>>) target_semaphore(%run_scoped3A : memref<!tpu.dma_semaphore, #tpu.memory_space<semaphore_mem>>)
        %dma_wait3A = arith.constant 0 : i32
        %dma_wait3A_33 = tpu.memref_slice %arg8[%add3A_29, %dma_wait3A] : memref<10000x16xf32, #tpu.memory_space<hbm>> -> memref<320x16xf32, #tpu.memory_space<hbm>>
        %dma_wait3A_34 = arith.constant 0 : i32
        %dma_wait3A_35 = tpu.memref_slice %arg15[%mul3A_18, %dma_wait3A_34] : memref<5008x16xf32, #tpu.memory_space<vmem_shared>> -> memref<320x16xf32, #tpu.memory_space<vmem_shared>>
        tpu.wait_dma2 semaphore(%run_scoped3A : memref<!tpu.dma_semaphore, #tpu.memory_space<semaphore_mem>>) src(%dma_wait3A_35 : memref<320x16xf32, #tpu.memory_space<vmem_shared>>) dst(%dma_wait3A_33 : memref<320x16xf32, #tpu.memory_space<hbm>>)
        tpu.yield
      }) : () -> ()
    } else {
    }
    return
  }
}

#map = affine_map<(d0, d1) -> (0)>
#map1 = affine_map<(d0, d1) -> (0, 0)>
module attributes {stable_mosaic.version = 14 : i64} {
  func.func @_sc_gather_rows_body(%arg0: i32, %arg1: i32, %arg2: memref<320000xi32, #tpu.memory_space<hbm>>, %arg3: memref<10000x128xf32, #tpu.memory_space<hbm>>, %arg4: memref<320000x128xf32, #tpu.memory_space<hbm>>, %arg5: memref<128xi32, #tpu.memory_space<vmem>>, %arg6: memref<128x128xf32, #tpu.memory_space<vmem>>, %arg7: memref<!tpu.dma_semaphore, #tpu.memory_space<semaphore_mem>>) attributes {dimension_semantics = [#tpu.dimension_semantics<core_parallel>, #tpu.dimension_semantics<subcore_parallel>], iteration_bounds = array<i64: 2, 16>, scalar_prefetch = 0 : i64, scratch_operands = 3 : i64, tpu.core_type = #tpu.core_type<sc_vector_subcore>, window_params = [{transform_indices = #map}, {transform_indices = #map1}, {transform_indices = #map1}]} {
    %mul3A = arith.constant 16 : i32
    %mul3A_0 = arith.muli %arg0, %mul3A : i32
    %add3A = arith.addi %mul3A_0, %arg1 : i32
    %scan3A = arith.constant 0 : i32
    %scan3A_1 = arith.constant 0 : i32
    %scan3A_2 = arith.constant 79 : i32
    %scan3A_3 = arith.addi %scan3A_1, %scan3A_2 : i32
    %scan3A_4 = arith.constant 1 : i32
    scf.for %scan3A_6 = %scan3A_1 to %scan3A_3 step %scan3A_4  : i32 {
      %mul3A_7 = arith.constant 32 : i32
      %mul3A_8 = arith.muli %scan3A_6, %mul3A_7 : i32
      %add3A_9 = arith.addi %mul3A_8, %add3A : i32
      %lt3A = arith.constant 2500 : i32
      %lt3A_10 = arith.cmpi slt, %add3A_9, %lt3A : i32
      %convert_element_type3A = arith.extui %lt3A_10 : i1 to i32
      %cond3A = arith.constant 0 : i32
      %cond3A_11 = arith.cmpi ne, %convert_element_type3A, %cond3A : i32
      scf.if %cond3A_11 {
        %mul3A_12 = arith.constant 128 : i32
        %mul3A_13 = arith.muli %add3A_9, %mul3A_12 : i32
        "tpu.region"() ({
          %run_scoped3A = tpu.sem_alloc : memref<!tpu.dma_semaphore, #tpu.memory_space<semaphore_mem>>
          %dma_start3A_18 = tpu.memref_slice %arg2[%mul3A_13] : memref<320000xi32, #tpu.memory_space<hbm>> -> memref<128xi32, #tpu.memory_space<hbm>>
          %dma_start3A_19 = tpu.memref_slice %arg2[%mul3A_13] : memref<320000xi32, #tpu.memory_space<hbm>> -> memref<128xi32, #tpu.memory_space<hbm>>
          tpu.enqueue_dma source(%dma_start3A_19 : memref<128xi32, #tpu.memory_space<hbm>>) target(%arg5 : memref<128xi32, #tpu.memory_space<vmem>>) target_semaphore(%run_scoped3A : memref<!tpu.dma_semaphore, #tpu.memory_space<semaphore_mem>>)
          %dma_wait3A_20 = tpu.memref_slice %arg2[%mul3A_13] : memref<320000xi32, #tpu.memory_space<hbm>> -> memref<128xi32, #tpu.memory_space<hbm>>
          %dma_wait3A_21 = tpu.memref_slice %arg2[%mul3A_13] : memref<320000xi32, #tpu.memory_space<hbm>> -> memref<128xi32, #tpu.memory_space<hbm>>
          tpu.wait_dma2 semaphore(%run_scoped3A : memref<!tpu.dma_semaphore, #tpu.memory_space<semaphore_mem>>) src(%dma_wait3A_21 : memref<128xi32, #tpu.memory_space<hbm>>) dst(%arg5 : memref<128xi32, #tpu.memory_space<vmem>>)
          tpu.yield
        }) : () -> ()
        %dma_start3A = arith.constant 0 : i32
        %dma_start3A_14 = arith.constant 0 : i32
        %dma_start3A_15 = tpu.memref_slice %arg3[%dma_start3A, %dma_start3A_14] : memref<10000x128xf32, #tpu.memory_space<hbm>> -> memref<10000x128xf32, #tpu.memory_space<hbm>>
        tpu.enqueue_indirect_dma source(%dma_start3A_15 : memref<10000x128xf32, #tpu.memory_space<hbm>>) target(%arg6 : memref<128x128xf32, #tpu.memory_space<vmem>>) offsets(%arg5 : memref<128xi32, #tpu.memory_space<vmem>>) semaphore(%arg7 : memref<!tpu.dma_semaphore, #tpu.memory_space<semaphore_mem>>)
        %dma_wait3A = arith.constant 0 : i32
        %dma_wait3A_16 = arith.constant 0 : i32
        %dma_wait3A_17 = tpu.memref_slice %arg3[%dma_wait3A, %dma_wait3A_16] : memref<10000x128xf32, #tpu.memory_space<hbm>> -> memref<10000x128xf32, #tpu.memory_space<hbm>>
        tpu.wait_indirect_dma semaphore(%arg7 : memref<!tpu.dma_semaphore, #tpu.memory_space<semaphore_mem>>) src(%dma_wait3A_17 : memref<10000x128xf32, #tpu.memory_space<hbm>>) dst(%arg6 : memref<128x128xf32, #tpu.memory_space<vmem>>)
        "tpu.region"() ({
          %run_scoped3A = tpu.sem_alloc : memref<!tpu.dma_semaphore, #tpu.memory_space<semaphore_mem>>
          %dma_start3A_18 = arith.constant 0 : i32
          %dma_start3A_19 = tpu.memref_slice %arg4[%mul3A_13, %dma_start3A_18] : memref<320000x128xf32, #tpu.memory_space<hbm>> -> memref<128x128xf32, #tpu.memory_space<hbm>>
          %dma_start3A_20 = arith.constant 0 : i32
          %dma_start3A_21 = tpu.memref_slice %arg4[%mul3A_13, %dma_start3A_20] : memref<320000x128xf32, #tpu.memory_space<hbm>> -> memref<128x128xf32, #tpu.memory_space<hbm>>
          tpu.enqueue_dma source(%arg6 : memref<128x128xf32, #tpu.memory_space<vmem>>) target(%dma_start3A_21 : memref<128x128xf32, #tpu.memory_space<hbm>>) target_semaphore(%run_scoped3A : memref<!tpu.dma_semaphore, #tpu.memory_space<semaphore_mem>>)
          %dma_wait3A_22 = arith.constant 0 : i32
          %dma_wait3A_23 = tpu.memref_slice %arg4[%mul3A_13, %dma_wait3A_22] : memref<320000x128xf32, #tpu.memory_space<hbm>> -> memref<128x128xf32, #tpu.memory_space<hbm>>
          %dma_wait3A_24 = arith.constant 0 : i32
          %dma_wait3A_25 = tpu.memref_slice %arg4[%mul3A_13, %dma_wait3A_24] : memref<320000x128xf32, #tpu.memory_space<hbm>> -> memref<128x128xf32, #tpu.memory_space<hbm>>
          tpu.wait_dma2 semaphore(%run_scoped3A : memref<!tpu.dma_semaphore, #tpu.memory_space<semaphore_mem>>) src(%arg6 : memref<128x128xf32, #tpu.memory_space<vmem>>) dst(%dma_wait3A_25 : memref<128x128xf32, #tpu.memory_space<hbm>>)
          tpu.yield
        }) : () -> ()
      } else {
      }
    }
    %scan3A_5 = arith.constant 79 : i32
    return
  }
}

#map = affine_map<(d0, d1) -> (0)>
#map1 = affine_map<(d0, d1) -> (0, 0)>
module attributes {stable_mosaic.version = 14 : i64} {
  func.func @_sc_gather_rows_body(%arg0: i32, %arg1: i32, %arg2: memref<320000xi32, #tpu.memory_space<hbm>>, %arg3: memref<10000x128xf32, #tpu.memory_space<hbm>>, %arg4: memref<320000x128xf32, #tpu.memory_space<hbm>>, %arg5: memref<128xi32, #tpu.memory_space<vmem>>, %arg6: memref<128x128xf32, #tpu.memory_space<vmem>>, %arg7: memref<!tpu.dma_semaphore, #tpu.memory_space<semaphore_mem>>) attributes {dimension_semantics = [#tpu.dimension_semantics<core_parallel>, #tpu.dimension_semantics<subcore_parallel>], iteration_bounds = array<i64: 2, 16>, scalar_prefetch = 0 : i64, scratch_operands = 3 : i64, tpu.core_type = #tpu.core_type<sc_vector_subcore>, window_params = [{transform_indices = #map}, {transform_indices = #map1}, {transform_indices = #map1}]} {
    %mul3A = arith.constant 16 : i32
    %mul3A_0 = arith.muli %arg0, %mul3A : i32
    %add3A = arith.addi %mul3A_0, %arg1 : i32
    %scan3A = arith.constant 0 : i32
    %scan3A_1 = arith.constant 0 : i32
    %scan3A_2 = arith.constant 79 : i32
    %scan3A_3 = arith.addi %scan3A_1, %scan3A_2 : i32
    %scan3A_4 = arith.constant 1 : i32
    scf.for %scan3A_6 = %scan3A_1 to %scan3A_3 step %scan3A_4  : i32 {
      %mul3A_7 = arith.constant 32 : i32
      %mul3A_8 = arith.muli %scan3A_6, %mul3A_7 : i32
      %add3A_9 = arith.addi %mul3A_8, %add3A : i32
      %lt3A = arith.constant 2500 : i32
      %lt3A_10 = arith.cmpi slt, %add3A_9, %lt3A : i32
      %convert_element_type3A = arith.extui %lt3A_10 : i1 to i32
      %cond3A = arith.constant 0 : i32
      %cond3A_11 = arith.cmpi ne, %convert_element_type3A, %cond3A : i32
      scf.if %cond3A_11 {
        %mul3A_12 = arith.constant 128 : i32
        %mul3A_13 = arith.muli %add3A_9, %mul3A_12 : i32
        "tpu.region"() ({
          %run_scoped3A = tpu.sem_alloc : memref<!tpu.dma_semaphore, #tpu.memory_space<semaphore_mem>>
          %dma_start3A_18 = tpu.memref_slice %arg2[%mul3A_13] : memref<320000xi32, #tpu.memory_space<hbm>> -> memref<128xi32, #tpu.memory_space<hbm>>
          %dma_start3A_19 = tpu.memref_slice %arg2[%mul3A_13] : memref<320000xi32, #tpu.memory_space<hbm>> -> memref<128xi32, #tpu.memory_space<hbm>>
          tpu.enqueue_dma source(%dma_start3A_19 : memref<128xi32, #tpu.memory_space<hbm>>) target(%arg5 : memref<128xi32, #tpu.memory_space<vmem>>) target_semaphore(%run_scoped3A : memref<!tpu.dma_semaphore, #tpu.memory_space<semaphore_mem>>)
          %dma_wait3A_20 = tpu.memref_slice %arg2[%mul3A_13] : memref<320000xi32, #tpu.memory_space<hbm>> -> memref<128xi32, #tpu.memory_space<hbm>>
          %dma_wait3A_21 = tpu.memref_slice %arg2[%mul3A_13] : memref<320000xi32, #tpu.memory_space<hbm>> -> memref<128xi32, #tpu.memory_space<hbm>>
          tpu.wait_dma2 semaphore(%run_scoped3A : memref<!tpu.dma_semaphore, #tpu.memory_space<semaphore_mem>>) src(%dma_wait3A_21 : memref<128xi32, #tpu.memory_space<hbm>>) dst(%arg5 : memref<128xi32, #tpu.memory_space<vmem>>)
          tpu.yield
        }) : () -> ()
        %dma_start3A = arith.constant 0 : i32
        %dma_start3A_14 = arith.constant 0 : i32
        %dma_start3A_15 = tpu.memref_slice %arg3[%dma_start3A, %dma_start3A_14] : memref<10000x128xf32, #tpu.memory_space<hbm>> -> memref<10000x128xf32, #tpu.memory_space<hbm>>
        tpu.enqueue_indirect_dma source(%dma_start3A_15 : memref<10000x128xf32, #tpu.memory_space<hbm>>) target(%arg6 : memref<128x128xf32, #tpu.memory_space<vmem>>) offsets(%arg5 : memref<128xi32, #tpu.memory_space<vmem>>) semaphore(%arg7 : memref<!tpu.dma_semaphore, #tpu.memory_space<semaphore_mem>>)
        %dma_wait3A = arith.constant 0 : i32
        %dma_wait3A_16 = arith.constant 0 : i32
        %dma_wait3A_17 = tpu.memref_slice %arg3[%dma_wait3A, %dma_wait3A_16] : memref<10000x128xf32, #tpu.memory_space<hbm>> -> memref<10000x128xf32, #tpu.memory_space<hbm>>
        tpu.wait_indirect_dma semaphore(%arg7 : memref<!tpu.dma_semaphore, #tpu.memory_space<semaphore_mem>>) src(%dma_wait3A_17 : memref<10000x128xf32, #tpu.memory_space<hbm>>) dst(%arg6 : memref<128x128xf32, #tpu.memory_space<vmem>>)
        "tpu.region"() ({
          %run_scoped3A = tpu.sem_alloc : memref<!tpu.dma_semaphore, #tpu.memory_space<semaphore_mem>>
          %dma_start3A_18 = arith.constant 0 : i32
          %dma_start3A_19 = tpu.memref_slice %arg4[%mul3A_13, %dma_start3A_18] : memref<320000x128xf32, #tpu.memory_space<hbm>> -> memref<128x128xf32, #tpu.memory_space<hbm>>
          %dma_start3A_20 = arith.constant 0 : i32
          %dma_start3A_21 = tpu.memref_slice %arg4[%mul3A_13, %dma_start3A_20] : memref<320000x128xf32, #tpu.memory_space<hbm>> -> memref<128x128xf32, #tpu.memory_space<hbm>>
          tpu.enqueue_dma source(%arg6 : memref<128x128xf32, #tpu.memory_space<vmem>>) target(%dma_start3A_21 : memref<128x128xf32, #tpu.memory_space<hbm>>) target_semaphore(%run_scoped3A : memref<!tpu.dma_semaphore, #tpu.memory_space<semaphore_mem>>)
          %dma_wait3A_22 = arith.constant 0 : i32
          %dma_wait3A_23 = tpu.memref_slice %arg4[%mul3A_13, %dma_wait3A_22] : memref<320000x128xf32, #tpu.memory_space<hbm>> -> memref<128x128xf32, #tpu.memory_space<hbm>>
          %dma_wait3A_24 = arith.constant 0 : i32
          %dma_wait3A_25 = tpu.memref_slice %arg4[%mul3A_13, %dma_wait3A_24] : memref<320000x128xf32, #tpu.memory_space<hbm>> -> memref<128x128xf32, #tpu.memory_space<hbm>>
          tpu.wait_dma2 semaphore(%run_scoped3A : memref<!tpu.dma_semaphore, #tpu.memory_space<semaphore_mem>>) src(%arg6 : memref<128x128xf32, #tpu.memory_space<vmem>>) dst(%dma_wait3A_25 : memref<128x128xf32, #tpu.memory_space<hbm>>)
          tpu.yield
        }) : () -> ()
      } else {
      }
    }
    %scan3A_5 = arith.constant 79 : i32
    return
  }
}

#map = affine_map<(d0, d1) -> (0, 0, 0)>
#map1 = affine_map<(d0, d1) -> (0, 0)>
module attributes {stable_mosaic.version = 14 : i64} {
  func.func @_sc_rgcn_body(%arg0: i32, %arg1: i32, %arg2: memref<2500x3x128xi32, #tpu.memory_space<hbm>>, %arg3: memref<80000x128xf32, #tpu.memory_space<hbm>>, %arg4: memref<10000x128xf32, #tpu.memory_space<hbm>>, %arg5: memref<10000x16xf32, #tpu.memory_space<hbm>>, %arg6: memref<10000x128xf32, #tpu.memory_space<hbm>>, %arg7: memref<10000x16xf32, #tpu.memory_space<hbm>>, %arg8: memref<3x128xi32, #tpu.memory_space<vmem>>, %arg9: memref<128xi32, #tpu.memory_space<vmem>>, %arg10: memref<128xi32, #tpu.memory_space<vmem>>, %arg11: memref<128x128xf32, #tpu.memory_space<vmem>>, %arg12: memref<128x16xf32, #tpu.memory_space<vmem>>, %arg13: memref<5008x128xf32, #tpu.memory_space<vmem_shared>>, %arg14: memref<5008x16xf32, #tpu.memory_space<vmem_shared>>, %arg15: memref<!tpu.dma_semaphore, #tpu.memory_space<semaphore_mem>>) attributes {dimension_semantics = [#tpu.dimension_semantics<core_parallel>, #tpu.dimension_semantics<subcore_parallel>], iteration_bounds = array<i64: 2, 16>, scalar_prefetch = 0 : i64, scratch_operands = 8 : i64, tpu.core_type = #tpu.core_type<sc_vector_subcore>, window_params = [{transform_indices = #map}, {transform_indices = #map1}, {transform_indices = #map1}, {transform_indices = #map1}, {transform_indices = #map1}, {transform_indices = #map1}]} {
    %mul3A = arith.constant 5000 : i32
    %mul3A_0 = arith.muli %arg0, %mul3A : i32
    %mul3A_1 = arith.constant 312 : i32
    %mul3A_2 = arith.muli %arg1, %mul3A_1 : i32
    %lt3A = arith.constant 15 : i32
    %lt3A_3 = arith.cmpi slt, %arg1, %lt3A : i32
    %convert_element_type3A = arith.extui %lt3A_3 : i1 to i32
    %cond3A = arith.constant 0 : i32
    %cond3A_4 = arith.cmpi ne, %convert_element_type3A, %cond3A : i32
    scf.if %cond3A_4 {
      "tpu.region"() ({
        %run_scoped3A = tpu.sem_alloc : memref<!tpu.dma_semaphore, #tpu.memory_space<semaphore_mem>>
        %dma_start3A = arith.constant 0 : i32
        %dma_start3A_35 = tpu.memref_slice %arg13[%mul3A_2, %dma_start3A] : memref<5008x128xf32, #tpu.memory_space<vmem_shared>> -> memref<312x128xf32, #tpu.memory_space<vmem_shared>>
        %dma_start3A_36 = arith.constant 0 : i32
        %dma_start3A_37 = tpu.memref_slice %arg4[%mul3A_2, %dma_start3A_36] : memref<10000x128xf32, #tpu.memory_space<hbm>> -> memref<312x128xf32, #tpu.memory_space<hbm>>
        tpu.enqueue_dma source(%dma_start3A_37 : memref<312x128xf32, #tpu.memory_space<hbm>>) target(%dma_start3A_35 : memref<312x128xf32, #tpu.memory_space<vmem_shared>>) target_semaphore(%run_scoped3A : memref<!tpu.dma_semaphore, #tpu.memory_space<semaphore_mem>>)
        %dma_wait3A = arith.constant 0 : i32
        %dma_wait3A_38 = tpu.memref_slice %arg13[%mul3A_2, %dma_wait3A] : memref<5008x128xf32, #tpu.memory_space<vmem_shared>> -> memref<312x128xf32, #tpu.memory_space<vmem_shared>>
        %dma_wait3A_39 = arith.constant 0 : i32
        %dma_wait3A_40 = tpu.memref_slice %arg4[%mul3A_2, %dma_wait3A_39] : memref<10000x128xf32, #tpu.memory_space<hbm>> -> memref<312x128xf32, #tpu.memory_space<hbm>>
        tpu.wait_dma2 semaphore(%run_scoped3A : memref<!tpu.dma_semaphore, #tpu.memory_space<semaphore_mem>>) src(%dma_wait3A_40 : memref<312x128xf32, #tpu.memory_space<hbm>>) dst(%dma_wait3A_38 : memref<312x128xf32, #tpu.memory_space<vmem_shared>>)
        tpu.yield
      }) : () -> ()
      "tpu.region"() ({
        %run_scoped3A = tpu.sem_alloc : memref<!tpu.dma_semaphore, #tpu.memory_space<semaphore_mem>>
        %dma_start3A = arith.constant 0 : i32
        %dma_start3A_35 = tpu.memref_slice %arg14[%mul3A_2, %dma_start3A] : memref<5008x16xf32, #tpu.memory_space<vmem_shared>> -> memref<312x16xf32, #tpu.memory_space<vmem_shared>>
        %dma_start3A_36 = arith.constant 0 : i32
        %dma_start3A_37 = tpu.memref_slice %arg5[%mul3A_2, %dma_start3A_36] : memref<10000x16xf32, #tpu.memory_space<hbm>> -> memref<312x16xf32, #tpu.memory_space<hbm>>
        tpu.enqueue_dma source(%dma_start3A_37 : memref<312x16xf32, #tpu.memory_space<hbm>>) target(%dma_start3A_35 : memref<312x16xf32, #tpu.memory_space<vmem_shared>>) target_semaphore(%run_scoped3A : memref<!tpu.dma_semaphore, #tpu.memory_space<semaphore_mem>>)
        %dma_wait3A = arith.constant 0 : i32
        %dma_wait3A_38 = tpu.memref_slice %arg14[%mul3A_2, %dma_wait3A] : memref<5008x16xf32, #tpu.memory_space<vmem_shared>> -> memref<312x16xf32, #tpu.memory_space<vmem_shared>>
        %dma_wait3A_39 = arith.constant 0 : i32
        %dma_wait3A_40 = tpu.memref_slice %arg5[%mul3A_2, %dma_wait3A_39] : memref<10000x16xf32, #tpu.memory_space<hbm>> -> memref<312x16xf32, #tpu.memory_space<hbm>>
        tpu.wait_dma2 semaphore(%run_scoped3A : memref<!tpu.dma_semaphore, #tpu.memory_space<semaphore_mem>>) src(%dma_wait3A_40 : memref<312x16xf32, #tpu.memory_space<hbm>>) dst(%dma_wait3A_38 : memref<312x16xf32, #tpu.memory_space<vmem_shared>>)
        tpu.yield
      }) : () -> ()
    } else {
    }
    %eq3A = arith.constant 15 : i32
    %eq3A_5 = arith.cmpi eq, %arg1, %eq3A : i32
    %convert_element_type3A_6 = arith.extui %eq3A_5 : i1 to i32
    %cond3A_7 = arith.constant 0 : i32
    %cond3A_8 = arith.cmpi ne, %convert_element_type3A_6, %cond3A_7 : i32
    scf.if %cond3A_8 {
      "tpu.region"() ({
        %run_scoped3A = tpu.sem_alloc : memref<!tpu.dma_semaphore, #tpu.memory_space<semaphore_mem>>
        %dma_start3A = arith.constant 0 : i32
        %dma_start3A_35 = tpu.memref_slice %arg13[%mul3A_2, %dma_start3A] : memref<5008x128xf32, #tpu.memory_space<vmem_shared>> -> memref<328x128xf32, #tpu.memory_space<vmem_shared>>
        %dma_start3A_36 = arith.constant 0 : i32
        %dma_start3A_37 = tpu.memref_slice %arg4[%mul3A_2, %dma_start3A_36] : memref<10000x128xf32, #tpu.memory_space<hbm>> -> memref<328x128xf32, #tpu.memory_space<hbm>>
        tpu.enqueue_dma source(%dma_start3A_37 : memref<328x128xf32, #tpu.memory_space<hbm>>) target(%dma_start3A_35 : memref<328x128xf32, #tpu.memory_space<vmem_shared>>) target_semaphore(%run_scoped3A : memref<!tpu.dma_semaphore, #tpu.memory_space<semaphore_mem>>)
        %dma_wait3A = arith.constant 0 : i32
        %dma_wait3A_38 = tpu.memref_slice %arg13[%mul3A_2, %dma_wait3A] : memref<5008x128xf32, #tpu.memory_space<vmem_shared>> -> memref<328x128xf32, #tpu.memory_space<vmem_shared>>
        %dma_wait3A_39 = arith.constant 0 : i32
        %dma_wait3A_40 = tpu.memref_slice %arg4[%mul3A_2, %dma_wait3A_39] : memref<10000x128xf32, #tpu.memory_space<hbm>> -> memref<328x128xf32, #tpu.memory_space<hbm>>
        tpu.wait_dma2 semaphore(%run_scoped3A : memref<!tpu.dma_semaphore, #tpu.memory_space<semaphore_mem>>) src(%dma_wait3A_40 : memref<328x128xf32, #tpu.memory_space<hbm>>) dst(%dma_wait3A_38 : memref<328x128xf32, #tpu.memory_space<vmem_shared>>)
        tpu.yield
      }) : () -> ()
      "tpu.region"() ({
        %run_scoped3A = tpu.sem_alloc : memref<!tpu.dma_semaphore, #tpu.memory_space<semaphore_mem>>
        %dma_start3A = arith.constant 0 : i32
        %dma_start3A_35 = tpu.memref_slice %arg14[%mul3A_2, %dma_start3A] : memref<5008x16xf32, #tpu.memory_space<vmem_shared>> -> memref<328x16xf32, #tpu.memory_space<vmem_shared>>
        %dma_start3A_36 = arith.constant 0 : i32
        %dma_start3A_37 = tpu.memref_slice %arg5[%mul3A_2, %dma_start3A_36] : memref<10000x16xf32, #tpu.memory_space<hbm>> -> memref<328x16xf32, #tpu.memory_space<hbm>>
        tpu.enqueue_dma source(%dma_start3A_37 : memref<328x16xf32, #tpu.memory_space<hbm>>) target(%dma_start3A_35 : memref<328x16xf32, #tpu.memory_space<vmem_shared>>) target_semaphore(%run_scoped3A : memref<!tpu.dma_semaphore, #tpu.memory_space<semaphore_mem>>)
        %dma_wait3A = arith.constant 0 : i32
        %dma_wait3A_38 = tpu.memref_slice %arg14[%mul3A_2, %dma_wait3A] : memref<5008x16xf32, #tpu.memory_space<vmem_shared>> -> memref<328x16xf32, #tpu.memory_space<vmem_shared>>
        %dma_wait3A_39 = arith.constant 0 : i32
        %dma_wait3A_40 = tpu.memref_slice %arg5[%mul3A_2, %dma_wait3A_39] : memref<10000x16xf32, #tpu.memory_space<hbm>> -> memref<328x16xf32, #tpu.memory_space<hbm>>
        tpu.wait_dma2 semaphore(%run_scoped3A : memref<!tpu.dma_semaphore, #tpu.memory_space<semaphore_mem>>) src(%dma_wait3A_40 : memref<328x16xf32, #tpu.memory_space<hbm>>) dst(%dma_wait3A_38 : memref<328x16xf32, #tpu.memory_space<vmem_shared>>)
        tpu.yield
      }) : () -> ()
    } else {
    }
    %scan3A = arith.constant 0 : i32
    %scan3A_9 = arith.constant 0 : i32
    %scan3A_10 = arith.constant 128 : i32
    %scan3A_11 = arith.addi %scan3A_9, %scan3A_10 : i32
    %scan3A_12 = arith.constant 1 : i32
    scf.for %scan3A_35 = %scan3A_9 to %scan3A_11 step %scan3A_12  : i32 {
      %broadcast_in_dim3A = arith.constant 1.000000e+00 : f32
      %broadcast_in_dim3A_36 = vector.broadcast %broadcast_in_dim3A : f32 to vector<16xf32>
      %swap3A = arith.index_cast %scan3A_35 : i32 to index
      %swap3A_37 = arith.constant 0 : index
      %swap3A_38 = tpu.vector_load %arg12[%swap3A, %swap3A_37] {strides = array<i32>} : memref<128x16xf32, #tpu.memory_space<vmem>>, vector<1x16xf32>,
      %swap3A_39 = vector.shape_cast %swap3A_38 : vector<1x16xf32> to vector<16xf32>
      %swap3A_40 = vector.shape_cast %broadcast_in_dim3A_36 : vector<16xf32> to vector<1x16xf32>
      tpu.vector_store %arg12[%swap3A, %swap3A_37], %swap3A_40 {strides = array<i32>} : memref<128x16xf32, #tpu.memory_space<vmem>>, vector<1x16xf32>,
    }
    %scan3A_13 = arith.constant 128 : i32
    %barrier3A = arith.constant 0 : index
    tpu.barrier barrier_id(%barrier3A)
    %scan3A_14 = arith.constant 0 : i32
    %scan3A_15 = arith.constant 0 : i32
    %scan3A_16 = arith.constant 157 : i32
    %scan3A_17 = arith.addi %scan3A_15, %scan3A_16 : i32
    %scan3A_18 = arith.constant 1 : i32
    scf.for %scan3A_35 = %scan3A_15 to %scan3A_17 step %scan3A_18  : i32 {
      %mul3A_36 = arith.constant 16 : i32
      %mul3A_37 = arith.muli %scan3A_35, %mul3A_36 : i32
      %add3A = arith.addi %mul3A_37, %arg1 : i32
      %lt3A_38 = arith.constant 2500 : i32
      %lt3A_39 = arith.cmpi slt, %add3A, %lt3A_38 : i32
      %convert_element_type3A_40 = arith.extui %lt3A_39 : i1 to i32
      %cond3A_41 = arith.constant 0 : i32
      %cond3A_42 = arith.cmpi ne, %convert_element_type3A_40, %cond3A_41 : i32
      scf.if %cond3A_42 {
        "tpu.region"() ({
          %run_scoped3A = tpu.sem_alloc : memref<!tpu.dma_semaphore, #tpu.memory_space<semaphore_mem>>
          %dma_start3A_53 = arith.constant 0 : i32
          %dma_start3A_54 = arith.constant 0 : i32
          %dma_start3A_55 = tpu.memref_slice %arg2[%add3A, %dma_start3A_53, %dma_start3A_54] : memref<2500x3x128xi32, #tpu.memory_space<hbm>> -> memref<1x3x128xi32, #tpu.memory_space<hbm>>
          %dma_start3A_56 = tpu.memref_squeeze %dma_start3A_55 : memref<1x3x128xi32, #tpu.memory_space<hbm>> -> memref<3x128xi32, #tpu.memory_space<hbm>>
          %dma_start3A_57 = arith.constant 0 : i32
          %dma_start3A_58 = arith.constant 0 : i32
          %dma_start3A_59 = tpu.memref_slice %arg2[%add3A, %dma_start3A_57, %dma_start3A_58] : memref<2500x3x128xi32, #tpu.memory_space<hbm>> -> memref<1x3x128xi32, #tpu.memory_space<hbm>>
          %dma_start3A_60 = tpu.memref_squeeze %dma_start3A_59 : memref<1x3x128xi32, #tpu.memory_space<hbm>> -> memref<3x128xi32, #tpu.memory_space<hbm>>
          tpu.enqueue_dma source(%dma_start3A_60 : memref<3x128xi32, #tpu.memory_space<hbm>>) target(%arg8 : memref<3x128xi32, #tpu.memory_space<vmem>>) target_semaphore(%run_scoped3A : memref<!tpu.dma_semaphore, #tpu.memory_space<semaphore_mem>>)
          %dma_wait3A_61 = arith.constant 0 : i32
          %dma_wait3A_62 = arith.constant 0 : i32
          %dma_wait3A_63 = tpu.memref_slice %arg2[%add3A, %dma_wait3A_61, %dma_wait3A_62] : memref<2500x3x128xi32, #tpu.memory_space<hbm>> -> memref<1x3x128xi32, #tpu.memory_space<hbm>>
          %dma_wait3A_64 = tpu.memref_squeeze %dma_wait3A_63 : memref<1x3x128xi32, #tpu.memory_space<hbm>> -> memref<3x128xi32, #tpu.memory_space<hbm>>
          %dma_wait3A_65 = arith.constant 0 : i32
          %dma_wait3A_66 = arith.constant 0 : i32
          %dma_wait3A_67 = tpu.memref_slice %arg2[%add3A, %dma_wait3A_65, %dma_wait3A_66] : memref<2500x3x128xi32, #tpu.memory_space<hbm>> -> memref<1x3x128xi32, #tpu.memory_space<hbm>>
          %dma_wait3A_68 = tpu.memref_squeeze %dma_wait3A_67 : memref<1x3x128xi32, #tpu.memory_space<hbm>> -> memref<3x128xi32, #tpu.memory_space<hbm>>
          tpu.wait_dma2 semaphore(%run_scoped3A : memref<!tpu.dma_semaphore, #tpu.memory_space<semaphore_mem>>) src(%dma_wait3A_68 : memref<3x128xi32, #tpu.memory_space<hbm>>) dst(%arg8 : memref<3x128xi32, #tpu.memory_space<vmem>>)
          tpu.yield
        }) : () -> ()
        %scan3A_43 = arith.constant 0 : i32
        %scan3A_44 = arith.constant 0 : i32
        %scan3A_45 = arith.constant 8 : i32
        %scan3A_46 = arith.addi %scan3A_44, %scan3A_45 : i32
        %scan3A_47 = arith.constant 1 : i32
        scf.for %scan3A_53 = %scan3A_44 to %scan3A_46 step %scan3A_47  : i32 {
          %mul3A_54 = arith.constant 16 : i32
          %mul3A_55 = arith.muli %scan3A_53, %mul3A_54 : i32
          %get3A = arith.constant 2 : i32
          %get3A_56 = arith.index_cast %get3A : i32 to index
          %get3A_57 = arith.index_cast %mul3A_55 : i32 to index
          %get3A_58 = tpu.vector_load %arg8[%get3A_56, %get3A_57] {strides = array<i32>} : memref<3x128xi32, #tpu.memory_space<vmem>>, vector<1x16xi32>,
          %get3A_59 = vector.shape_cast %get3A_58 : vector<1x16xi32> to vector<16xi32>
          %sub3A = vector.broadcast %mul3A_0 : i32 to vector<16xi32>
          %sub3A_60 = arith.subi %get3A_59, %sub3A : vector<16xi32>
          %ge3A = arith.constant 0 : i32
          %ge3A_61 = vector.broadcast %ge3A : i32 to vector<16xi32>
          %ge3A_62 = arith.cmpi sge, %sub3A_60, %ge3A_61 : vector<16xi32>
          %lt3A_63 = arith.constant 5000 : i32
          %lt3A_64 = vector.broadcast %lt3A_63 : i32 to vector<16xi32>
          %lt3A_65 = arith.cmpi slt, %sub3A_60, %lt3A_64 : vector<16xi32>
          %and3A = arith.andi %ge3A_62, %lt3A_65 : vector<16xi1>
          %get3A_66 = arith.constant 0 : i32
          %get3A_67 = arith.index_cast %get3A_66 : i32 to index
          %get3A_68 = arith.index_cast %mul3A_55 : i32 to index
          %get3A_69 = tpu.vector_load %arg8[%get3A_67, %get3A_68] {strides = array<i32>} : memref<3x128xi32, #tpu.memory_space<vmem>>, vector<1x16xi32>,
          %get3A_70 = vector.shape_cast %get3A_69 : vector<1x16xi32> to vector<16xi32>
          %mul3A_71 = arith.constant 8 : i32
          %mul3A_72 = vector.broadcast %mul3A_71 : i32 to vector<16xi32>
          %mul3A_73 = arith.muli %get3A_70, %mul3A_72 : vector<16xi32>
          %get3A_74 = arith.constant 1 : i32
          %get3A_75 = arith.index_cast %get3A_74 : i32 to index
          %get3A_76 = arith.index_cast %mul3A_55 : i32 to index
          %get3A_77 = tpu.vector_load %arg8[%get3A_75, %get3A_76] {strides = array<i32>} : memref<3x128xi32, #tpu.memory_space<vmem>>, vector<1x16xi32>,
          %get3A_78 = vector.shape_cast %get3A_77 : vector<1x16xi32> to vector<16xi32>
          %add3A_79 = arith.addi %mul3A_73, %get3A_78 : vector<16xi32>
          %swap3A = arith.index_cast %mul3A_55 : i32 to index
          %swap3A_80 = tpu.vector_load %arg9[%swap3A] {strides = array<i32>} : memref<128xi32, #tpu.memory_space<vmem>>, vector<16xi32>,
          %swap3A_81 = vector.shape_cast %swap3A_80 : vector<16xi32> to vector<16xi32>
          %swap3A_82 = vector.shape_cast %add3A_79 : vector<16xi32> to vector<16xi32>
          tpu.vector_store %arg9[%swap3A], %swap3A_82 {strides = array<i32>} : memref<128xi32, #tpu.memory_space<vmem>>, vector<16xi32>,
          %jit3A = arith.constant 5000 : i32
          %broadcast_in_dim3A = vector.broadcast %jit3A : i32 to vector<16xi32>
          %select_n3A = arith.select %and3A, %sub3A_60, %broadcast_in_dim3A : vector<16xi1>, vector<16xi32>
          %swap3A_83 = arith.index_cast %mul3A_55 : i32 to index
          %swap3A_84 = tpu.vector_load %arg10[%swap3A_83] {strides = array<i32>} : memref<128xi32, #tpu.memory_space<vmem>>, vector<16xi32>,
          %swap3A_85 = vector.shape_cast %swap3A_84 : vector<16xi32> to vector<16xi32>
          %swap3A_86 = vector.shape_cast %select_n3A : vector<16xi32> to vector<16xi32>
          tpu.vector_store %arg10[%swap3A_83], %swap3A_86 {strides = array<i32>} : memref<128xi32, #tpu.memory_space<vmem>>, vector<16xi32>,
        }
        %scan3A_48 = arith.constant 8 : i32
        %dma_start3A = arith.constant 0 : i32
        %dma_start3A_49 = arith.constant 0 : i32
        %dma_start3A_50 = tpu.memref_slice %arg3[%dma_start3A, %dma_start3A_49] : memref<80000x128xf32, #tpu.memory_space<hbm>> -> memref<80000x128xf32, #tpu.memory_space<hbm>>
        tpu.enqueue_indirect_dma source(%dma_start3A_50 : memref<80000x128xf32, #tpu.memory_space<hbm>>) target(%arg11 : memref<128x128xf32, #tpu.memory_space<vmem>>) offsets(%arg9 : memref<128xi32, #tpu.memory_space<vmem>>) semaphore(%arg15 : memref<!tpu.dma_semaphore, #tpu.memory_space<semaphore_mem>>)
        %dma_wait3A = arith.constant 0 : i32
        %dma_wait3A_51 = arith.constant 0 : i32
        %dma_wait3A_52 = tpu.memref_slice %arg3[%dma_wait3A, %dma_wait3A_51] : memref<80000x128xf32, #tpu.memory_space<hbm>> -> memref<80000x128xf32, #tpu.memory_space<hbm>>
        tpu.wait_indirect_dma semaphore(%arg15 : memref<!tpu.dma_semaphore, #tpu.memory_space<semaphore_mem>>) src(%dma_wait3A_52 : memref<80000x128xf32, #tpu.memory_space<hbm>>) dst(%arg11 : memref<128x128xf32, #tpu.memory_space<vmem>>)
        "tpu.region"() ({
          %run_scoped3A = tpu.sem_alloc : memref<!tpu.dma_semaphore, #tpu.memory_space<semaphore_mem>>
          %dma_start3A_53 = arith.constant 0 : i32
          %dma_start3A_54 = arith.constant 0 : i32
          %dma_start3A_55 = tpu.memref_slice %arg13[%dma_start3A_53, %dma_start3A_54] : memref<5008x128xf32, #tpu.memory_space<vmem_shared>> -> memref<5008x128xf32, #tpu.memory_space<vmem_shared>>
          tpu.enqueue_indirect_dma source(%arg11 : memref<128x128xf32, #tpu.memory_space<vmem>>) target(%dma_start3A_55 : memref<5008x128xf32, #tpu.memory_space<vmem_shared>>) offsets(%arg10 : memref<128xi32, #tpu.memory_space<vmem>>) semaphore(%run_scoped3A : memref<!tpu.dma_semaphore, #tpu.memory_space<semaphore_mem>>) {add = true}
          %dma_wait3A_56 = arith.constant 0 : i32
          %dma_wait3A_57 = arith.constant 0 : i32
          %dma_wait3A_58 = tpu.memref_slice %arg13[%dma_wait3A_56, %dma_wait3A_57] : memref<5008x128xf32, #tpu.memory_space<vmem_shared>> -> memref<5008x128xf32, #tpu.memory_space<vmem_shared>>
          tpu.wait_indirect_dma semaphore(%run_scoped3A : memref<!tpu.dma_semaphore, #tpu.memory_space<semaphore_mem>>) src(%arg11 : memref<128x128xf32, #tpu.memory_space<vmem>>) dst(%dma_wait3A_58 : memref<5008x128xf32, #tpu.memory_space<vmem_shared>>)
          tpu.yield
        }) : () -> ()
        "tpu.region"() ({
          %run_scoped3A = tpu.sem_alloc : memref<!tpu.dma_semaphore, #tpu.memory_space<semaphore_mem>>
          %dma_start3A_53 = arith.constant 0 : i32
          %dma_start3A_54 = arith.constant 0 : i32
          %dma_start3A_55 = tpu.memref_slice %arg14[%dma_start3A_53, %dma_start3A_54] : memref<5008x16xf32, #tpu.memory_space<vmem_shared>> -> memref<5008x16xf32, #tpu.memory_space<vmem_shared>>
          tpu.enqueue_indirect_dma source(%arg12 : memref<128x16xf32, #tpu.memory_space<vmem>>) target(%dma_start3A_55 : memref<5008x16xf32, #tpu.memory_space<vmem_shared>>) offsets(%arg10 : memref<128xi32, #tpu.memory_space<vmem>>) semaphore(%run_scoped3A : memref<!tpu.dma_semaphore, #tpu.memory_space<semaphore_mem>>) {add = true}
          %dma_wait3A_56 = arith.constant 0 : i32
          %dma_wait3A_57 = arith.constant 0 : i32
          %dma_wait3A_58 = tpu.memref_slice %arg14[%dma_wait3A_56, %dma_wait3A_57] : memref<5008x16xf32, #tpu.memory_space<vmem_shared>> -> memref<5008x16xf32, #tpu.memory_space<vmem_shared>>
          tpu.wait_indirect_dma semaphore(%run_scoped3A : memref<!tpu.dma_semaphore, #tpu.memory_space<semaphore_mem>>) src(%arg12 : memref<128x16xf32, #tpu.memory_space<vmem>>) dst(%dma_wait3A_58 : memref<5008x16xf32, #tpu.memory_space<vmem_shared>>)
          tpu.yield
        }) : () -> ()
      } else {
      }
    }
    %scan3A_19 = arith.constant 157 : i32
    %barrier3A_20 = arith.constant 0 : index
    tpu.barrier barrier_id(%barrier3A_20)
    %mul3A_21 = arith.constant 5000 : i32
    %mul3A_22 = arith.muli %arg0, %mul3A_21 : i32
    %mul3A_23 = arith.constant 312 : i32
    %mul3A_24 = arith.muli %arg1, %mul3A_23 : i32
    %lt3A_25 = arith.constant 15 : i32
    %lt3A_26 = arith.cmpi slt, %arg1, %lt3A_25 : i32
    %convert_element_type3A_27 = arith.extui %lt3A_26 : i1 to i32
    %cond3A_28 = arith.constant 0 : i32
    %cond3A_29 = arith.cmpi ne, %convert_element_type3A_27, %cond3A_28 : i32
    scf.if %cond3A_29 {
      %add3A = arith.addi %mul3A_22, %mul3A_24 : i32
      "tpu.region"() ({
        %run_scoped3A = tpu.sem_alloc : memref<!tpu.dma_semaphore, #tpu.memory_space<semaphore_mem>>
        %dma_start3A = arith.constant 0 : i32
        %dma_start3A_36 = tpu.memref_slice %arg6[%add3A, %dma_start3A] : memref<10000x128xf32, #tpu.memory_space<hbm>> -> memref<312x128xf32, #tpu.memory_space<hbm>>
        %dma_start3A_37 = arith.constant 0 : i32
        %dma_start3A_38 = tpu.memref_slice %arg13[%mul3A_24, %dma_start3A_37] : memref<5008x128xf32, #tpu.memory_space<vmem_shared>> -> memref<312x128xf32, #tpu.memory_space<vmem_shared>>
        tpu.enqueue_dma source(%dma_start3A_38 : memref<312x128xf32, #tpu.memory_space<vmem_shared>>) target(%dma_start3A_36 : memref<312x128xf32, #tpu.memory_space<hbm>>) target_semaphore(%run_scoped3A : memref<!tpu.dma_semaphore, #tpu.memory_space<semaphore_mem>>)
        %dma_wait3A = arith.constant 0 : i32
        %dma_wait3A_39 = tpu.memref_slice %arg6[%add3A, %dma_wait3A] : memref<10000x128xf32, #tpu.memory_space<hbm>> -> memref<312x128xf32, #tpu.memory_space<hbm>>
        %dma_wait3A_40 = arith.constant 0 : i32
        %dma_wait3A_41 = tpu.memref_slice %arg13[%mul3A_24, %dma_wait3A_40] : memref<5008x128xf32, #tpu.memory_space<vmem_shared>> -> memref<312x128xf32, #tpu.memory_space<vmem_shared>>
        tpu.wait_dma2 semaphore(%run_scoped3A : memref<!tpu.dma_semaphore, #tpu.memory_space<semaphore_mem>>) src(%dma_wait3A_41 : memref<312x128xf32, #tpu.memory_space<vmem_shared>>) dst(%dma_wait3A_39 : memref<312x128xf32, #tpu.memory_space<hbm>>)
        tpu.yield
      }) : () -> ()
      %add3A_35 = arith.addi %mul3A_22, %mul3A_24 : i32
      "tpu.region"() ({
        %run_scoped3A = tpu.sem_alloc : memref<!tpu.dma_semaphore, #tpu.memory_space<semaphore_mem>>
        %dma_start3A = arith.constant 0 : i32
        %dma_start3A_36 = tpu.memref_slice %arg7[%add3A_35, %dma_start3A] : memref<10000x16xf32, #tpu.memory_space<hbm>> -> memref<312x16xf32, #tpu.memory_space<hbm>>
        %dma_start3A_37 = arith.constant 0 : i32
        %dma_start3A_38 = tpu.memref_slice %arg14[%mul3A_24, %dma_start3A_37] : memref<5008x16xf32, #tpu.memory_space<vmem_shared>> -> memref<312x16xf32, #tpu.memory_space<vmem_shared>>
        tpu.enqueue_dma source(%dma_start3A_38 : memref<312x16xf32, #tpu.memory_space<vmem_shared>>) target(%dma_start3A_36 : memref<312x16xf32, #tpu.memory_space<hbm>>) target_semaphore(%run_scoped3A : memref<!tpu.dma_semaphore, #tpu.memory_space<semaphore_mem>>)
        %dma_wait3A = arith.constant 0 : i32
        %dma_wait3A_39 = tpu.memref_slice %arg7[%add3A_35, %dma_wait3A] : memref<10000x16xf32, #tpu.memory_space<hbm>> -> memref<312x16xf32, #tpu.memory_space<hbm>>
        %dma_wait3A_40 = arith.constant 0 : i32
        %dma_wait3A_41 = tpu.memref_slice %arg14[%mul3A_24, %dma_wait3A_40] : memref<5008x16xf32, #tpu.memory_space<vmem_shared>> -> memref<312x16xf32, #tpu.memory_space<vmem_shared>>
        tpu.wait_dma2 semaphore(%run_scoped3A : memref<!tpu.dma_semaphore, #tpu.memory_space<semaphore_mem>>) src(%dma_wait3A_41 : memref<312x16xf32, #tpu.memory_space<vmem_shared>>) dst(%dma_wait3A_39 : memref<312x16xf32, #tpu.memory_space<hbm>>)
        tpu.yield
      }) : () -> ()
    } else {
    }
    %eq3A_30 = arith.constant 15 : i32
    %eq3A_31 = arith.cmpi eq, %arg1, %eq3A_30 : i32
    %convert_element_type3A_32 = arith.extui %eq3A_31 : i1 to i32
    %cond3A_33 = arith.constant 0 : i32
    %cond3A_34 = arith.cmpi ne, %convert_element_type3A_32, %cond3A_33 : i32
    scf.if %cond3A_34 {
      %add3A = arith.addi %mul3A_22, %mul3A_24 : i32
      "tpu.region"() ({
        %run_scoped3A = tpu.sem_alloc : memref<!tpu.dma_semaphore, #tpu.memory_space<semaphore_mem>>
        %dma_start3A = arith.constant 0 : i32
        %dma_start3A_36 = tpu.memref_slice %arg6[%add3A, %dma_start3A] : memref<10000x128xf32, #tpu.memory_space<hbm>> -> memref<320x128xf32, #tpu.memory_space<hbm>>
        %dma_start3A_37 = arith.constant 0 : i32
        %dma_start3A_38 = tpu.memref_slice %arg13[%mul3A_24, %dma_start3A_37] : memref<5008x128xf32, #tpu.memory_space<vmem_shared>> -> memref<320x128xf32, #tpu.memory_space<vmem_shared>>
        tpu.enqueue_dma source(%dma_start3A_38 : memref<320x128xf32, #tpu.memory_space<vmem_shared>>) target(%dma_start3A_36 : memref<320x128xf32, #tpu.memory_space<hbm>>) target_semaphore(%run_scoped3A : memref<!tpu.dma_semaphore, #tpu.memory_space<semaphore_mem>>)
        %dma_wait3A = arith.constant 0 : i32
        %dma_wait3A_39 = tpu.memref_slice %arg6[%add3A, %dma_wait3A] : memref<10000x128xf32, #tpu.memory_space<hbm>> -> memref<320x128xf32, #tpu.memory_space<hbm>>
        %dma_wait3A_40 = arith.constant 0 : i32
        %dma_wait3A_41 = tpu.memref_slice %arg13[%mul3A_24, %dma_wait3A_40] : memref<5008x128xf32, #tpu.memory_space<vmem_shared>> -> memref<320x128xf32, #tpu.memory_space<vmem_shared>>
        tpu.wait_dma2 semaphore(%run_scoped3A : memref<!tpu.dma_semaphore, #tpu.memory_space<semaphore_mem>>) src(%dma_wait3A_41 : memref<320x128xf32, #tpu.memory_space<vmem_shared>>) dst(%dma_wait3A_39 : memref<320x128xf32, #tpu.memory_space<hbm>>)
        tpu.yield
      }) : () -> ()
      %add3A_35 = arith.addi %mul3A_22, %mul3A_24 : i32
      "tpu.region"() ({
        %run_scoped3A = tpu.sem_alloc : memref<!tpu.dma_semaphore, #tpu.memory_space<semaphore_mem>>
        %dma_start3A = arith.constant 0 : i32
        %dma_start3A_36 = tpu.memref_slice %arg7[%add3A_35, %dma_start3A] : memref<10000x16xf32, #tpu.memory_space<hbm>> -> memref<320x16xf32, #tpu.memory_space<hbm>>
        %dma_start3A_37 = arith.constant 0 : i32
        %dma_start3A_38 = tpu.memref_slice %arg14[%mul3A_24, %dma_start3A_37] : memref<5008x16xf32, #tpu.memory_space<vmem_shared>> -> memref<320x16xf32, #tpu.memory_space<vmem_shared>>
        tpu.enqueue_dma source(%dma_start3A_38 : memref<320x16xf32, #tpu.memory_space<vmem_shared>>) target(%dma_start3A_36 : memref<320x16xf32, #tpu.memory_space<hbm>>) target_semaphore(%run_scoped3A : memref<!tpu.dma_semaphore, #tpu.memory_space<semaphore_mem>>)
        %dma_wait3A = arith.constant 0 : i32
        %dma_wait3A_39 = tpu.memref_slice %arg7[%add3A_35, %dma_wait3A] : memref<10000x16xf32, #tpu.memory_space<hbm>> -> memref<320x16xf32, #tpu.memory_space<hbm>>
        %dma_wait3A_40 = arith.constant 0 : i32
        %dma_wait3A_41 = tpu.memref_slice %arg14[%mul3A_24, %dma_wait3A_40] : memref<5008x16xf32, #tpu.memory_space<vmem_shared>> -> memref<320x16xf32, #tpu.memory_space<vmem_shared>>
        tpu.wait_dma2 semaphore(%run_scoped3A : memref<!tpu.dma_semaphore, #tpu.memory_space<semaphore_mem>>) src(%dma_wait3A_41 : memref<320x16xf32, #tpu.memory_space<vmem_shared>>) dst(%dma_wait3A_39 : memref<320x16xf32, #tpu.memory_space<hbm>>)
        tpu.yield
      }) : () -> ()
    } else {
    }
    return
  }
}

module attributes {stable_mosaic.version = 14 : i64} {
  func.func @_dense1_body(%arg0: i32, %arg1: memref<1000x128xf32, #tpu.memory_space<vmem>>, %arg2: memref<8x128x128xf32, #tpu.memory_space<vmem>>, %arg3: memref<128x128xf32, #tpu.memory_space<vmem>>, %arg4: memref<1x128xf32, #tpu.memory_space<vmem>>, %arg5: memref<1000x8x128xf32, #tpu.memory_space<vmem>>, %arg6: memref<1000x128xf32, #tpu.memory_space<vmem>>) attributes {dimension_semantics = [#tpu.dimension_semantics<arbitrary>], iteration_bounds = array<i64: 10>, scalar_prefetch = 0 : i64, scratch_operands = 0 : i64, tpu.core_type = #tpu.core_type<tc>, window_params = [{transform_indices = @transform_0, window_bounds = array<i64: 1000, 128>}, {pipeline_mode = #tpu.pipeline_mode<synchronous>, transform_indices = @transform_1, window_bounds = array<i64: 8, 128, 128>}, {pipeline_mode = #tpu.pipeline_mode<synchronous>, transform_indices = @transform_2, window_bounds = array<i64: 128, 128>}, {pipeline_mode = #tpu.pipeline_mode<synchronous>, transform_indices = @transform_3, window_bounds = array<i64: 1, 128>}, {transform_indices = @transform_4, window_bounds = array<i64: 1000, 8, 128>}, {transform_indices = @transform_5, window_bounds = array<i64: 1000, 128>}]} {
    %get3A = arith.constant 0 : index
    %get3A_0 = arith.constant 0 : index
    %get3A_1 = vector.load %arg1[%get3A, %get3A_0] : memref<1000x128xf32, #tpu.memory_space<vmem>>, vector<1000x128xf32>
    %get3A_2 = arith.constant 0 : index
    %get3A_3 = arith.constant 0 : index
    %get3A_4 = arith.constant 0 : index
    %get3A_5 = vector.load %arg2[%get3A_2, %get3A_3, %get3A_4] : memref<8x128x128xf32, #tpu.memory_space<vmem>>, vector<1x128x128xf32>
    %get3A_6 = vector.shape_cast %get3A_5 : vector<1x128x128xf32> to vector<128x128xf32>
    %dot_general3A = arith.constant dense<0.000000e+00> : vector<1000x128xf32>
    %dot_general3A_7 = tpu.matmul %get3A_1, %get3A_6, %dot_general3A {dimension_numbers = #tpu.dot_dimension_numbers<[1], [0], [0], [1], [0, 0, 1, 1], [], []>, transpose_lhs_hint = false} : vector<1000x128xf32>, vector<128x128xf32>, vector<1000x128xf32> -> vector<1000x128xf32>
    %swap3A = arith.constant 0 : index
    %swap3A_8 = arith.constant 0 : index
    %swap3A_9 = arith.constant 0 : index
    %swap3A_10 = vector.load %arg5[%swap3A, %swap3A_8, %swap3A_9] : memref<1000x8x128xf32, #tpu.memory_space<vmem>>, vector<1000x1x128xf32>
    %swap3A_11 = vector.shape_cast %swap3A_10 : vector<1000x1x128xf32> to vector<1000x128xf32>
    %swap3A_12 = vector.shape_cast %dot_general3A_7 : vector<1000x128xf32> to vector<1000x1x128xf32>
    tpu.vector_store %arg5[%swap3A, %swap3A_8, %swap3A_9], %swap3A_12 {strides = array<i32>} : memref<1000x8x128xf32, #tpu.memory_space<vmem>>, vector<1000x1x128xf32>,
    %get3A_13 = arith.constant 1 : index
    %get3A_14 = arith.constant 0 : index
    %get3A_15 = arith.constant 0 : index
    %get3A_16 = vector.load %arg2[%get3A_13, %get3A_14, %get3A_15] : memref<8x128x128xf32, #tpu.memory_space<vmem>>, vector<1x128x128xf32>
    %get3A_17 = vector.shape_cast %get3A_16 : vector<1x128x128xf32> to vector<128x128xf32>
    %dot_general3A_18 = arith.constant dense<0.000000e+00> : vector<1000x128xf32>
    %dot_general3A_19 = tpu.matmul %get3A_1, %get3A_17, %dot_general3A_18 {dimension_numbers = #tpu.dot_dimension_numbers<[1], [0], [0], [1], [0, 0, 1, 1], [], []>, transpose_lhs_hint = false} : vector<1000x128xf32>, vector<128x128xf32>, vector<1000x128xf32> -> vector<1000x128xf32>
    %swap3A_20 = arith.constant 0 : index
    %swap3A_21 = arith.constant 1 : index
    %swap3A_22 = arith.constant 0 : index
    %swap3A_23 = vector.load %arg5[%swap3A_20, %swap3A_21, %swap3A_22] : memref<1000x8x128xf32, #tpu.memory_space<vmem>>, vector<1000x1x128xf32>
    %swap3A_24 = vector.shape_cast %swap3A_23 : vector<1000x1x128xf32> to vector<1000x128xf32>
    %swap3A_25 = vector.shape_cast %dot_general3A_19 : vector<1000x128xf32> to vector<1000x1x128xf32>
    tpu.vector_store %arg5[%swap3A_20, %swap3A_21, %swap3A_22], %swap3A_25 {strides = array<i32>} : memref<1000x8x128xf32, #tpu.memory_space<vmem>>, vector<1000x1x128xf32>,
    %get3A_26 = arith.constant 2 : index
    %get3A_27 = arith.constant 0 : index
    %get3A_28 = arith.constant 0 : index
    %get3A_29 = vector.load %arg2[%get3A_26, %get3A_27, %get3A_28] : memref<8x128x128xf32, #tpu.memory_space<vmem>>, vector<1x128x128xf32>
    %get3A_30 = vector.shape_cast %get3A_29 : vector<1x128x128xf32> to vector<128x128xf32>
    %dot_general3A_31 = arith.constant dense<0.000000e+00> : vector<1000x128xf32>
    %dot_general3A_32 = tpu.matmul %get3A_1, %get3A_30, %dot_general3A_31 {dimension_numbers = #tpu.dot_dimension_numbers<[1], [0], [0], [1], [0, 0, 1, 1], [], []>, transpose_lhs_hint = false} : vector<1000x128xf32>, vector<128x128xf32>, vector<1000x128xf32> -> vector<1000x128xf32>
    %swap3A_33 = arith.constant 0 : index
    %swap3A_34 = arith.constant 2 : index
    %swap3A_35 = arith.constant 0 : index
    %swap3A_36 = vector.load %arg5[%swap3A_33, %swap3A_34, %swap3A_35] : memref<1000x8x128xf32, #tpu.memory_space<vmem>>, vector<1000x1x128xf32>
    %swap3A_37 = vector.shape_cast %swap3A_36 : vector<1000x1x128xf32> to vector<1000x128xf32>
    %swap3A_38 = vector.shape_cast %dot_general3A_32 : vector<1000x128xf32> to vector<1000x1x128xf32>
    tpu.vector_store %arg5[%swap3A_33, %swap3A_34, %swap3A_35], %swap3A_38 {strides = array<i32>} : memref<1000x8x128xf32, #tpu.memory_space<vmem>>, vector<1000x1x128xf32>,
    %get3A_39 = arith.constant 3 : index
    %get3A_40 = arith.constant 0 : index
    %get3A_41 = arith.constant 0 : index
    %get3A_42 = vector.load %arg2[%get3A_39, %get3A_40, %get3A_41] : memref<8x128x128xf32, #tpu.memory_space<vmem>>, vector<1x128x128xf32>
    %get3A_43 = vector.shape_cast %get3A_42 : vector<1x128x128xf32> to vector<128x128xf32>
    %dot_general3A_44 = arith.constant dense<0.000000e+00> : vector<1000x128xf32>
    %dot_general3A_45 = tpu.matmul %get3A_1, %get3A_43, %dot_general3A_44 {dimension_numbers = #tpu.dot_dimension_numbers<[1], [0], [0], [1], [0, 0, 1, 1], [], []>, transpose_lhs_hint = false} : vector<1000x128xf32>, vector<128x128xf32>, vector<1000x128xf32> -> vector<1000x128xf32>
    %swap3A_46 = arith.constant 0 : index
    %swap3A_47 = arith.constant 3 : index
    %swap3A_48 = arith.constant 0 : index
    %swap3A_49 = vector.load %arg5[%swap3A_46, %swap3A_47, %swap3A_48] : memref<1000x8x128xf32, #tpu.memory_space<vmem>>, vector<1000x1x128xf32>
    %swap3A_50 = vector.shape_cast %swap3A_49 : vector<1000x1x128xf32> to vector<1000x128xf32>
    %swap3A_51 = vector.shape_cast %dot_general3A_45 : vector<1000x128xf32> to vector<1000x1x128xf32>
    tpu.vector_store %arg5[%swap3A_46, %swap3A_47, %swap3A_48], %swap3A_51 {strides = array<i32>} : memref<1000x8x128xf32, #tpu.memory_space<vmem>>, vector<1000x1x128xf32>,
    %get3A_52 = arith.constant 4 : index
    %get3A_53 = arith.constant 0 : index
    %get3A_54 = arith.constant 0 : index
    %get3A_55 = vector.load %arg2[%get3A_52, %get3A_53, %get3A_54] : memref<8x128x128xf32, #tpu.memory_space<vmem>>, vector<1x128x128xf32>
    %get3A_56 = vector.shape_cast %get3A_55 : vector<1x128x128xf32> to vector<128x128xf32>
    %dot_general3A_57 = arith.constant dense<0.000000e+00> : vector<1000x128xf32>
    %dot_general3A_58 = tpu.matmul %get3A_1, %get3A_56, %dot_general3A_57 {dimension_numbers = #tpu.dot_dimension_numbers<[1], [0], [0], [1], [0, 0, 1, 1], [], []>, transpose_lhs_hint = false} : vector<1000x128xf32>, vector<128x128xf32>, vector<1000x128xf32> -> vector<1000x128xf32>
    %swap3A_59 = arith.constant 0 : index
    %swap3A_60 = arith.constant 4 : index
    %swap3A_61 = arith.constant 0 : index
    %swap3A_62 = vector.load %arg5[%swap3A_59, %swap3A_60, %swap3A_61] : memref<1000x8x128xf32, #tpu.memory_space<vmem>>, vector<1000x1x128xf32>
    %swap3A_63 = vector.shape_cast %swap3A_62 : vector<1000x1x128xf32> to vector<1000x128xf32>
    %swap3A_64 = vector.shape_cast %dot_general3A_58 : vector<1000x128xf32> to vector<1000x1x128xf32>
    tpu.vector_store %arg5[%swap3A_59, %swap3A_60, %swap3A_61], %swap3A_64 {strides = array<i32>} : memref<1000x8x128xf32, #tpu.memory_space<vmem>>, vector<1000x1x128xf32>,
    %get3A_65 = arith.constant 5 : index
    %get3A_66 = arith.constant 0 : index
    %get3A_67 = arith.constant 0 : index
    %get3A_68 = vector.load %arg2[%get3A_65, %get3A_66, %get3A_67] : memref<8x128x128xf32, #tpu.memory_space<vmem>>, vector<1x128x128xf32>
    %get3A_69 = vector.shape_cast %get3A_68 : vector<1x128x128xf32> to vector<128x128xf32>
    %dot_general3A_70 = arith.constant dense<0.000000e+00> : vector<1000x128xf32>
    %dot_general3A_71 = tpu.matmul %get3A_1, %get3A_69, %dot_general3A_70 {dimension_numbers = #tpu.dot_dimension_numbers<[1], [0], [0], [1], [0, 0, 1, 1], [], []>, transpose_lhs_hint = false} : vector<1000x128xf32>, vector<128x128xf32>, vector<1000x128xf32> -> vector<1000x128xf32>
    %swap3A_72 = arith.constant 0 : index
    %swap3A_73 = arith.constant 5 : index
    %swap3A_74 = arith.constant 0 : index
    %swap3A_75 = vector.load %arg5[%swap3A_72, %swap3A_73, %swap3A_74] : memref<1000x8x128xf32, #tpu.memory_space<vmem>>, vector<1000x1x128xf32>
    %swap3A_76 = vector.shape_cast %swap3A_75 : vector<1000x1x128xf32> to vector<1000x128xf32>
    %swap3A_77 = vector.shape_cast %dot_general3A_71 : vector<1000x128xf32> to vector<1000x1x128xf32>
    tpu.vector_store %arg5[%swap3A_72, %swap3A_73, %swap3A_74], %swap3A_77 {strides = array<i32>} : memref<1000x8x128xf32, #tpu.memory_space<vmem>>, vector<1000x1x128xf32>,
    %get3A_78 = arith.constant 6 : index
    %get3A_79 = arith.constant 0 : index
    %get3A_80 = arith.constant 0 : index
    %get3A_81 = vector.load %arg2[%get3A_78, %get3A_79, %get3A_80] : memref<8x128x128xf32, #tpu.memory_space<vmem>>, vector<1x128x128xf32>
    %get3A_82 = vector.shape_cast %get3A_81 : vector<1x128x128xf32> to vector<128x128xf32>
    %dot_general3A_83 = arith.constant dense<0.000000e+00> : vector<1000x128xf32>
    %dot_general3A_84 = tpu.matmul %get3A_1, %get3A_82, %dot_general3A_83 {dimension_numbers = #tpu.dot_dimension_numbers<[1], [0], [0], [1], [0, 0, 1, 1], [], []>, transpose_lhs_hint = false} : vector<1000x128xf32>, vector<128x128xf32>, vector<1000x128xf32> -> vector<1000x128xf32>
    %swap3A_85 = arith.constant 0 : index
    %swap3A_86 = arith.constant 6 : index
    %swap3A_87 = arith.constant 0 : index
    %swap3A_88 = vector.load %arg5[%swap3A_85, %swap3A_86, %swap3A_87] : memref<1000x8x128xf32, #tpu.memory_space<vmem>>, vector<1000x1x128xf32>
    %swap3A_89 = vector.shape_cast %swap3A_88 : vector<1000x1x128xf32> to vector<1000x128xf32>
    %swap3A_90 = vector.shape_cast %dot_general3A_84 : vector<1000x128xf32> to vector<1000x1x128xf32>
    tpu.vector_store %arg5[%swap3A_85, %swap3A_86, %swap3A_87], %swap3A_90 {strides = array<i32>} : memref<1000x8x128xf32, #tpu.memory_space<vmem>>, vector<1000x1x128xf32>,
    %get3A_91 = arith.constant 7 : index
    %get3A_92 = arith.constant 0 : index
    %get3A_93 = arith.constant 0 : index
    %get3A_94 = vector.load %arg2[%get3A_91, %get3A_92, %get3A_93] : memref<8x128x128xf32, #tpu.memory_space<vmem>>, vector<1x128x128xf32>
    %get3A_95 = vector.shape_cast %get3A_94 : vector<1x128x128xf32> to vector<128x128xf32>
    %dot_general3A_96 = arith.constant dense<0.000000e+00> : vector<1000x128xf32>
    %dot_general3A_97 = tpu.matmul %get3A_1, %get3A_95, %dot_general3A_96 {dimension_numbers = #tpu.dot_dimension_numbers<[1], [0], [0], [1], [0, 0, 1, 1], [], []>, transpose_lhs_hint = false} : vector<1000x128xf32>, vector<128x128xf32>, vector<1000x128xf32> -> vector<1000x128xf32>
    %swap3A_98 = arith.constant 0 : index
    %swap3A_99 = arith.constant 7 : index
    %swap3A_100 = arith.constant 0 : index
    %swap3A_101 = vector.load %arg5[%swap3A_98, %swap3A_99, %swap3A_100] : memref<1000x8x128xf32, #tpu.memory_space<vmem>>, vector<1000x1x128xf32>
    %swap3A_102 = vector.shape_cast %swap3A_101 : vector<1000x1x128xf32> to vector<1000x128xf32>
    %swap3A_103 = vector.shape_cast %dot_general3A_97 : vector<1000x128xf32> to vector<1000x1x128xf32>
    tpu.vector_store %arg5[%swap3A_98, %swap3A_99, %swap3A_100], %swap3A_103 {strides = array<i32>} : memref<1000x8x128xf32, #tpu.memory_space<vmem>>, vector<1000x1x128xf32>,
    %get3A_104 = arith.constant 0 : index
    %get3A_105 = arith.constant 0 : index
    %get3A_106 = vector.load %arg3[%get3A_104, %get3A_105] : memref<128x128xf32, #tpu.memory_space<vmem>>, vector<128x128xf32>
    %dot_general3A_107 = arith.constant dense<0.000000e+00> : vector<1000x128xf32>
    %dot_general3A_108 = tpu.matmul %get3A_1, %get3A_106, %dot_general3A_107 {dimension_numbers = #tpu.dot_dimension_numbers<[1], [0], [0], [1], [0, 0, 1, 1], [], []>, transpose_lhs_hint = false} : vector<1000x128xf32>, vector<128x128xf32>, vector<1000x128xf32> -> vector<1000x128xf32>
    %get3A_109 = arith.constant 0 : index
    %get3A_110 = arith.constant 0 : index
    %get3A_111 = vector.load %arg4[%get3A_109, %get3A_110] : memref<1x128xf32, #tpu.memory_space<vmem>>, vector<1x128xf32>
    %add3A = vector.broadcast %get3A_111 : vector<1x128xf32> to vector<1000x128xf32>
    %add3A_112 = arith.addf %dot_general3A_108, %add3A : vector<1000x128xf32>
    %swap3A_113 = arith.constant 0 : index
    %swap3A_114 = arith.constant 0 : index
    %swap3A_115 = vector.load %arg6[%swap3A_113, %swap3A_114] : memref<1000x128xf32, #tpu.memory_space<vmem>>, vector<1000x128xf32>
    tpu.vector_store %arg6[%swap3A_113, %swap3A_114], %add3A_112 {strides = array<i32>} : memref<1000x128xf32, #tpu.memory_space<vmem>>, vector<1000x128xf32>,
    return
  }
  func.func @transform_0(%arg0: i32) -> (i32, i32) {
    %c0_i32 = arith.constant 0 : i32
    %c0_i32_0 = arith.constant 0 : i32
    return %arg0, %c0_i32 : i32, i32
  }
  func.func @transform_1(%arg0: i32) -> (i32, i32, i32) {
    %c0_i32 = arith.constant 0 : i32
    %c0_i32_0 = arith.constant 0 : i32
    %c0_i32_1 = arith.constant 0 : i32
    %c0_i32_2 = arith.constant 0 : i32
    return %c0_i32, %c0_i32_0, %c0_i32_1 : i32, i32, i32
  }
  func.func @transform_2(%arg0: i32) -> (i32, i32) {
    %c0_i32 = arith.constant 0 : i32
    %c0_i32_0 = arith.constant 0 : i32
    %c0_i32_1 = arith.constant 0 : i32
    return %c0_i32, %c0_i32_0 : i32, i32
  }
  func.func @transform_3(%arg0: i32) -> (i32, i32) {
    %c0_i32 = arith.constant 0 : i32
    %c0_i32_0 = arith.constant 0 : i32
    %c0_i32_1 = arith.constant 0 : i32
    return %c0_i32, %c0_i32_0 : i32, i32
  }
  func.func @transform_4(%arg0: i32) -> (i32, i32, i32) {
    %c0_i32 = arith.constant 0 : i32
    %c0_i32_0 = arith.constant 0 : i32
    %c0_i32_1 = arith.constant 0 : i32
    return %arg0, %c0_i32, %c0_i32_0 : i32, i32, i32
  }
  func.func @transform_5(%arg0: i32) -> (i32, i32) {
    %c0_i32 = arith.constant 0 : i32
    %c0_i32_0 = arith.constant 0 : i32
    return %arg0, %c0_i32 : i32, i32
  }
}

module attributes {stable_mosaic.version = 14 : i64} {
  func.func @_dense2_body(%arg0: i32, %arg1: memref<1000x128xf32, #tpu.memory_space<vmem>>, %arg2: memref<1000x16xf32, #tpu.memory_space<vmem>>, %arg3: memref<1000x128xf32, #tpu.memory_space<vmem>>, %arg4: memref<128x128xf32, #tpu.memory_space<vmem>>, %arg5: memref<1x128xf32, #tpu.memory_space<vmem>>, %arg6: memref<128x128xf32, #tpu.memory_space<vmem>>, %arg7: memref<1x128xf32, #tpu.memory_space<vmem>>, %arg8: memref<128x128xf32, #tpu.memory_space<vmem>>, %arg9: memref<1x128xf32, #tpu.memory_space<vmem>>, %arg10: memref<128x128xf32, #tpu.memory_space<vmem>>, %arg11: memref<1x128xf32, #tpu.memory_space<vmem>>, %arg12: memref<1000x128xf32, #tpu.memory_space<vmem>>, %arg13: memref<1000x256xf32, #tpu.memory_space<vmem>>, %arg14: memref<1000x128xf32, #tpu.memory_space<vmem>>) attributes {dimension_semantics = [#tpu.dimension_semantics<arbitrary>], iteration_bounds = array<i64: 10>, scalar_prefetch = 0 : i64, scratch_operands = 0 : i64, tpu.core_type = #tpu.core_type<tc>, window_params = [{transform_indices = @transform_0, window_bounds = array<i64: 1000, 128>}, {transform_indices = @transform_1, window_bounds = array<i64: 1000, 16>}, {transform_indices = @transform_2, window_bounds = array<i64: 1000, 128>}, {pipeline_mode = #tpu.pipeline_mode<synchronous>, transform_indices = @transform_3, window_bounds = array<i64: 128, 128>}, {pipeline_mode = #tpu.pipeline_mode<synchronous>, transform_indices = @transform_4, window_bounds = array<i64: 1, 128>}, {pipeline_mode = #tpu.pipeline_mode<synchronous>, transform_indices = @transform_5, window_bounds = array<i64: 128, 128>}, {pipeline_mode = #tpu.pipeline_mode<synchronous>, transform_indices = @transform_6, window_bounds = array<i64: 1, 128>}, {pipeline_mode = #tpu.pipeline_mode<synchronous>, transform_indices = @transform_7, window_bounds = array<i64: 128, 128>}, {pipeline_mode = #tpu.pipeline_mode<synchronous>, transform_indices = @transform_8, window_bounds = array<i64: 1, 128>}, {pipeline_mode = #tpu.pipeline_mode<synchronous>, transform_indices = @transform_9, window_bounds = array<i64: 128, 128>}, {pipeline_mode = #tpu.pipeline_mode<synchronous>, transform_indices = @transform_10, window_bounds = array<i64: 1, 128>}, {transform_indices = @transform_11, window_bounds = array<i64: 1000, 128>}, {transform_indices = @transform_12, window_bounds = array<i64: 1000, 256>}, {transform_indices = @transform_13, window_bounds = array<i64: 1000, 128>}]} {
    %get3A = arith.constant 0 : index
    %get3A_0 = arith.constant 0 : index
    %get3A_1 = vector.load %arg2[%get3A, %get3A_0] : memref<1000x16xf32, #tpu.memory_space<vmem>>, vector<1000x1xf32>
    %get3A_2 = arith.constant 0 : index
    %get3A_3 = arith.constant 0 : index
    %get3A_4 = vector.load %arg1[%get3A_2, %get3A_3] : memref<1000x128xf32, #tpu.memory_space<vmem>>, vector<1000x128xf32>
    %max3A = arith.constant 1.000000e+00 : f32
    %max3A_5 = vector.broadcast %max3A : f32 to vector<1000x1xf32>
    %max3A_6 = arith.maximumf %get3A_1, %max3A_5 : vector<1000x1xf32>
    %div3A = vector.broadcast %max3A_6 : vector<1000x1xf32> to vector<1000x128xf32>
    %div3A_7 = arith.divf %get3A_4, %div3A : vector<1000x128xf32>
    %get3A_8 = arith.constant 0 : index
    %get3A_9 = arith.constant 0 : index
    %get3A_10 = vector.load %arg3[%get3A_8, %get3A_9] : memref<1000x128xf32, #tpu.memory_space<vmem>>, vector<1000x128xf32>
    %add3A = arith.addf %div3A_7, %get3A_10 : vector<1000x128xf32>
    %get3A_11 = arith.constant 0 : index
    %get3A_12 = arith.constant 0 : index
    %get3A_13 = vector.load %arg4[%get3A_11, %get3A_12] : memref<128x128xf32, #tpu.memory_space<vmem>>, vector<128x128xf32>
    %dot_general3A = arith.constant dense<0.000000e+00> : vector<1000x128xf32>
    %dot_general3A_14 = tpu.matmul %add3A, %get3A_13, %dot_general3A {dimension_numbers = #tpu.dot_dimension_numbers<[1], [0], [0], [1], [0, 0, 1, 1], [], []>, transpose_lhs_hint = false} : vector<1000x128xf32>, vector<128x128xf32>, vector<1000x128xf32> -> vector<1000x128xf32>
    %get3A_15 = arith.constant 0 : index
    %get3A_16 = arith.constant 0 : index
    %get3A_17 = vector.load %arg5[%get3A_15, %get3A_16] : memref<1x128xf32, #tpu.memory_space<vmem>>, vector<1x128xf32>
    %add3A_18 = vector.broadcast %get3A_17 : vector<1x128xf32> to vector<1000x128xf32>
    %add3A_19 = arith.addf %dot_general3A_14, %add3A_18 : vector<1000x128xf32>
    %swap3A = arith.constant 0 : index
    %swap3A_20 = arith.constant 0 : index
    %swap3A_21 = vector.load %arg12[%swap3A, %swap3A_20] : memref<1000x128xf32, #tpu.memory_space<vmem>>, vector<1000x128xf32>
    tpu.vector_store %arg12[%swap3A, %swap3A_20], %add3A_19 {strides = array<i32>} : memref<1000x128xf32, #tpu.memory_space<vmem>>, vector<1000x128xf32>,
    %get3A_22 = arith.constant 0 : index
    %get3A_23 = arith.constant 0 : index
    %get3A_24 = vector.load %arg6[%get3A_22, %get3A_23] : memref<128x128xf32, #tpu.memory_space<vmem>>, vector<128x128xf32>
    %dot_general3A_25 = arith.constant dense<0.000000e+00> : vector<1000x128xf32>
    %dot_general3A_26 = tpu.matmul %add3A, %get3A_24, %dot_general3A_25 {dimension_numbers = #tpu.dot_dimension_numbers<[1], [0], [0], [1], [0, 0, 1, 1], [], []>, transpose_lhs_hint = false} : vector<1000x128xf32>, vector<128x128xf32>, vector<1000x128xf32> -> vector<1000x128xf32>
    %get3A_27 = arith.constant 0 : index
    %get3A_28 = arith.constant 0 : index
    %get3A_29 = vector.load %arg7[%get3A_27, %get3A_28] : memref<1x128xf32, #tpu.memory_space<vmem>>, vector<1x128xf32>
    %add3A_30 = vector.broadcast %get3A_29 : vector<1x128xf32> to vector<1000x128xf32>
    %add3A_31 = arith.addf %dot_general3A_26, %add3A_30 : vector<1000x128xf32>
    %swap3A_32 = arith.constant 0 : index
    %swap3A_33 = arith.constant 0 : index
    %swap3A_34 = vector.load %arg13[%swap3A_32, %swap3A_33] : memref<1000x256xf32, #tpu.memory_space<vmem>>, vector<1000x128xf32>
    tpu.vector_store %arg13[%swap3A_32, %swap3A_33], %add3A_31 {strides = array<i32>} : memref<1000x256xf32, #tpu.memory_space<vmem>>, vector<1000x128xf32>,
    %get3A_35 = arith.constant 0 : index
    %get3A_36 = arith.constant 0 : index
    %get3A_37 = vector.load %arg8[%get3A_35, %get3A_36] : memref<128x128xf32, #tpu.memory_space<vmem>>, vector<128x128xf32>
    %dot_general3A_38 = arith.constant dense<0.000000e+00> : vector<1000x128xf32>
    %dot_general3A_39 = tpu.matmul %add3A, %get3A_37, %dot_general3A_38 {dimension_numbers = #tpu.dot_dimension_numbers<[1], [0], [0], [1], [0, 0, 1, 1], [], []>, transpose_lhs_hint = false} : vector<1000x128xf32>, vector<128x128xf32>, vector<1000x128xf32> -> vector<1000x128xf32>
    %get3A_40 = arith.constant 0 : index
    %get3A_41 = arith.constant 0 : index
    %get3A_42 = vector.load %arg9[%get3A_40, %get3A_41] : memref<1x128xf32, #tpu.memory_space<vmem>>, vector<1x128xf32>
    %add3A_43 = vector.broadcast %get3A_42 : vector<1x128xf32> to vector<1000x128xf32>
    %add3A_44 = arith.addf %dot_general3A_39, %add3A_43 : vector<1000x128xf32>
    %swap3A_45 = arith.constant 0 : index
    %swap3A_46 = arith.constant 128 : index
    %swap3A_47 = vector.load %arg13[%swap3A_45, %swap3A_46] : memref<1000x256xf32, #tpu.memory_space<vmem>>, vector<1000x128xf32>
    tpu.vector_store %arg13[%swap3A_45, %swap3A_46], %add3A_44 {strides = array<i32>} : memref<1000x256xf32, #tpu.memory_space<vmem>>, vector<1000x128xf32>,
    %get3A_48 = arith.constant 0 : index
    %get3A_49 = arith.constant 0 : index
    %get3A_50 = vector.load %arg10[%get3A_48, %get3A_49] : memref<128x128xf32, #tpu.memory_space<vmem>>, vector<128x128xf32>
    %dot_general3A_51 = arith.constant dense<0.000000e+00> : vector<1000x128xf32>
    %dot_general3A_52 = tpu.matmul %add3A, %get3A_50, %dot_general3A_51 {dimension_numbers = #tpu.dot_dimension_numbers<[1], [0], [0], [1], [0, 0, 1, 1], [], []>, transpose_lhs_hint = false} : vector<1000x128xf32>, vector<128x128xf32>, vector<1000x128xf32> -> vector<1000x128xf32>
    %get3A_53 = arith.constant 0 : index
    %get3A_54 = arith.constant 0 : index
    %get3A_55 = vector.load %arg11[%get3A_53, %get3A_54] : memref<1x128xf32, #tpu.memory_space<vmem>>, vector<1x128xf32>
    %add3A_56 = vector.broadcast %get3A_55 : vector<1x128xf32> to vector<1000x128xf32>
    %add3A_57 = arith.addf %dot_general3A_52, %add3A_56 : vector<1000x128xf32>
    %swap3A_58 = arith.constant 0 : index
    %swap3A_59 = arith.constant 0 : index
    %swap3A_60 = vector.load %arg14[%swap3A_58, %swap3A_59] : memref<1000x128xf32, #tpu.memory_space<vmem>>, vector<1000x128xf32>
    tpu.vector_store %arg14[%swap3A_58, %swap3A_59], %add3A_57 {strides = array<i32>} : memref<1000x128xf32, #tpu.memory_space<vmem>>, vector<1000x128xf32>,
    return
  }
  func.func @transform_0(%arg0: i32) -> (i32, i32) {
    %c0_i32 = arith.constant 0 : i32
    %c0_i32_0 = arith.constant 0 : i32
    return %arg0, %c0_i32 : i32, i32
  }
  func.func @transform_1(%arg0: i32) -> (i32, i32) {
    %c0_i32 = arith.constant 0 : i32
    %c0_i32_0 = arith.constant 0 : i32
    return %arg0, %c0_i32 : i32, i32
  }
  func.func @transform_2(%arg0: i32) -> (i32, i32) {
    %c0_i32 = arith.constant 0 : i32
    %c0_i32_0 = arith.constant 0 : i32
    return %arg0, %c0_i32 : i32, i32
  }
  func.func @transform_3(%arg0: i32) -> (i32, i32) {
    %c0_i32 = arith.constant 0 : i32
    %c0_i32_0 = arith.constant 0 : i32
    %c0_i32_1 = arith.constant 0 : i32
    return %c0_i32, %c0_i32_0 : i32, i32
  }
  func.func @transform_4(%arg0: i32) -> (i32, i32) {
    %c0_i32 = arith.constant 0 : i32
    %c0_i32_0 = arith.constant 0 : i32
    %c0_i32_1 = arith.constant 0 : i32
    return %c0_i32, %c0_i32_0 : i32, i32
  }
  func.func @transform_5(%arg0: i32) -> (i32, i32) {
    %c0_i32 = arith.constant 0 : i32
    %c0_i32_0 = arith.constant 0 : i32
    %c0_i32_1 = arith.constant 0 : i32
    return %c0_i32, %c0_i32_0 : i32, i32
  }
  func.func @transform_6(%arg0: i32) -> (i32, i32) {
    %c0_i32 = arith.constant 0 : i32
    %c0_i32_0 = arith.constant 0 : i32
    %c0_i32_1 = arith.constant 0 : i32
    return %c0_i32, %c0_i32_0 : i32, i32
  }
  func.func @transform_7(%arg0: i32) -> (i32, i32) {
    %c0_i32 = arith.constant 0 : i32
    %c0_i32_0 = arith.constant 0 : i32
    %c0_i32_1 = arith.constant 0 : i32
    return %c0_i32, %c0_i32_0 : i32, i32
  }
  func.func @transform_8(%arg0: i32) -> (i32, i32) {
    %c0_i32 = arith.constant 0 : i32
    %c0_i32_0 = arith.constant 0 : i32
    %c0_i32_1 = arith.constant 0 : i32
    return %c0_i32, %c0_i32_0 : i32, i32
  }
  func.func @transform_9(%arg0: i32) -> (i32, i32) {
    %c0_i32 = arith.constant 0 : i32
    %c0_i32_0 = arith.constant 0 : i32
    %c0_i32_1 = arith.constant 0 : i32
    return %c0_i32, %c0_i32_0 : i32, i32
  }
  func.func @transform_10(%arg0: i32) -> (i32, i32) {
    %c0_i32 = arith.constant 0 : i32
    %c0_i32_0 = arith.constant 0 : i32
    %c0_i32_1 = arith.constant 0 : i32
    return %c0_i32, %c0_i32_0 : i32, i32
  }
  func.func @transform_11(%arg0: i32) -> (i32, i32) {
    %c0_i32 = arith.constant 0 : i32
    %c0_i32_0 = arith.constant 0 : i32
    return %arg0, %c0_i32 : i32, i32
  }
  func.func @transform_12(%arg0: i32) -> (i32, i32) {
    %c0_i32 = arith.constant 0 : i32
    %c0_i32_0 = arith.constant 0 : i32
    return %arg0, %c0_i32 : i32, i32
  }
  func.func @transform_13(%arg0: i32) -> (i32, i32) {
    %c0_i32 = arith.constant 0 : i32
    %c0_i32_0 = arith.constant 0 : i32
    return %arg0, %c0_i32 : i32, i32
  }
}

module attributes {stable_mosaic.version = 14 : i64} {
  func.func @_dense_w_body(%arg0: i32, %arg1: memref<4000x128xf32, #tpu.memory_space<vmem>>, %arg2: memref<4000x128xf32, #tpu.memory_space<vmem>>, %arg3: memref<4000x16xf32, #tpu.memory_space<vmem>>) attributes {dimension_semantics = [#tpu.dimension_semantics<arbitrary>], iteration_bounds = array<i64: 80>, scalar_prefetch = 0 : i64, scratch_operands = 0 : i64, tpu.core_type = #tpu.core_type<tc>, window_params = [{transform_indices = @transform_0, window_bounds = array<i64: 4000, 128>}, {transform_indices = @transform_1, window_bounds = array<i64: 4000, 128>}, {transform_indices = @transform_2, window_bounds = array<i64: 4000, 16>}]} {
    %get3A = arith.constant 0 : index
    %get3A_0 = arith.constant 0 : index
    %get3A_1 = vector.load %arg1[%get3A, %get3A_0] : memref<4000x128xf32, #tpu.memory_space<vmem>>, vector<4000x128xf32>
    %get3A_2 = arith.constant 0 : index
    %get3A_3 = arith.constant 0 : index
    %get3A_4 = vector.load %arg2[%get3A_2, %get3A_3] : memref<4000x128xf32, #tpu.memory_space<vmem>>, vector<4000x128xf32>
    %mul3A = arith.mulf %get3A_1, %get3A_4 : vector<4000x128xf32>
    %reduce_sum3A = arith.constant dense<0.000000e+00> : vector<4000xf32>
    %reduce_sum3A_5 = vector.multi_reduction <add>, %mul3A, %reduce_sum3A [1] : vector<4000x128xf32> to vector<4000xf32>
    %broadcast_in_dim3A = vector.shape_cast %reduce_sum3A_5 : vector<4000xf32> to vector<4000x1xf32>
    %mul3A_6 = arith.constant 0.0883883461 : f32
    %mul3A_7 = vector.broadcast %mul3A_6 : f32 to vector<4000x1xf32>
    %mul3A_8 = arith.mulf %broadcast_in_dim3A, %mul3A_7 : vector<4000x1xf32>
    %exp3A = math.exp %mul3A_8 : vector<4000x1xf32>
    %broadcast_in_dim3A_9 = vector.shape_cast %exp3A : vector<4000x1xf32> to vector<4000x1xf32>
    %broadcast_in_dim3A_10 = vector.broadcast %broadcast_in_dim3A_9 : vector<4000x1xf32> to vector<4000x16xf32>
    %swap3A = arith.constant 0 : index
    %swap3A_11 = arith.constant 0 : index
    %swap3A_12 = vector.load %arg3[%swap3A, %swap3A_11] : memref<4000x16xf32, #tpu.memory_space<vmem>>, vector<4000x16xf32>
    tpu.vector_store %arg3[%swap3A, %swap3A_11], %broadcast_in_dim3A_10 {strides = array<i32>} : memref<4000x16xf32, #tpu.memory_space<vmem>>, vector<4000x16xf32>,
    return
  }
  func.func @transform_0(%arg0: i32) -> (i32, i32) {
    %c0_i32 = arith.constant 0 : i32
    %c0_i32_0 = arith.constant 0 : i32
    return %arg0, %c0_i32 : i32, i32
  }
  func.func @transform_1(%arg0: i32) -> (i32, i32) {
    %c0_i32 = arith.constant 0 : i32
    %c0_i32_0 = arith.constant 0 : i32
    return %arg0, %c0_i32 : i32, i32
  }
  func.func @transform_2(%arg0: i32) -> (i32, i32) {
    %c0_i32 = arith.constant 0 : i32
    %c0_i32_0 = arith.constant 0 : i32
    return %arg0, %c0_i32 : i32, i32
  }
}

module attributes {stable_mosaic.version = 14 : i64} {
  func.func @_dense3_body(%arg0: memref<10000x128xf32, #tpu.memory_space<vmem>>, %arg1: memref<10000x16xf32, #tpu.memory_space<vmem>>, %arg2: memref<10000x128xf32, #tpu.memory_space<vmem>>, %arg3: memref<1x128xf32, #tpu.memory_space<vmem>>, %arg4: memref<1x128xf32, #tpu.memory_space<vmem>>, %arg5: memref<10000x128xf32, #tpu.memory_space<vmem>>) attributes {dimension_semantics = [], scalar_prefetch = 0 : i64, scratch_operands = 0 : i64, tpu.core_type = #tpu.core_type<tc>} {
    %get3A = arith.constant 0 : index
    %get3A_0 = arith.constant 0 : index
    %get3A_1 = vector.load %arg1[%get3A, %get3A_0] : memref<10000x16xf32, #tpu.memory_space<vmem>>, vector<10000x1xf32>
    %gt3A = arith.constant 0.000000e+00 : f32
    %gt3A_2 = vector.broadcast %gt3A : f32 to vector<10000x1xf32>
    %gt3A_3 = arith.cmpf ogt, %get3A_1, %gt3A_2 : vector<10000x1xf32>
    %get3A_4 = arith.constant 0 : index
    %get3A_5 = arith.constant 0 : index
    %get3A_6 = vector.load %arg0[%get3A_4, %get3A_5] : memref<10000x128xf32, #tpu.memory_space<vmem>>, vector<10000x128xf32>
    %max3A = arith.constant 1.000000e-30 : f32
    %max3A_7 = vector.broadcast %max3A : f32 to vector<10000x1xf32>
    %max3A_8 = arith.maximumf %get3A_1, %max3A_7 : vector<10000x1xf32>
    %div3A = vector.broadcast %max3A_8 : vector<10000x1xf32> to vector<10000x128xf32>
    %div3A_9 = arith.divf %get3A_6, %div3A : vector<10000x128xf32>
    %jit3A = arith.constant 0.000000e+00 : f32
    %broadcast_in_dim3A = vector.shape_cast %gt3A_3 : vector<10000x1xi1> to vector<10000x1xi1>
    %broadcast_in_dim3A_10 = vector.broadcast %broadcast_in_dim3A : vector<10000x1xi1> to vector<10000x128xi1>
    %broadcast_in_dim3A_11 = vector.broadcast %jit3A : f32 to vector<10000x128xf32>
    %select_n3A = arith.select %broadcast_in_dim3A_10, %div3A_9, %broadcast_in_dim3A_11 : vector<10000x128xi1>, vector<10000x128xf32>
    %get3A_12 = arith.constant 0 : index
    %get3A_13 = arith.constant 0 : index
    %get3A_14 = vector.load %arg2[%get3A_12, %get3A_13] : memref<10000x128xf32, #tpu.memory_space<vmem>>, vector<10000x128xf32>
    %add3A = arith.addf %select_n3A, %get3A_14 : vector<10000x128xf32>
    %reduce_sum3A = arith.constant dense<0.000000e+00> : vector<128xf32>
    %reduce_sum3A_15 = vector.multi_reduction <add>, %add3A, %reduce_sum3A [0] : vector<10000x128xf32> to vector<128xf32>
    %broadcast_in_dim3A_16 = vector.shape_cast %reduce_sum3A_15 : vector<128xf32> to vector<1x128xf32>
    %div3A_17 = arith.constant 1.000000e+04 : f32
    %div3A_18 = vector.broadcast %div3A_17 : f32 to vector<1x128xf32>
    %div3A_19 = arith.divf %broadcast_in_dim3A_16, %div3A_18 : vector<1x128xf32>
    %sub3A = vector.broadcast %div3A_19 : vector<1x128xf32> to vector<10000x128xf32>
    %sub3A_20 = arith.subf %add3A, %sub3A : vector<10000x128xf32>
    %integer_pow3A = arith.mulf %sub3A_20, %sub3A_20 : vector<10000x128xf32>
    %reduce_sum3A_21 = arith.constant dense<0.000000e+00> : vector<128xf32>
    %reduce_sum3A_22 = vector.multi_reduction <add>, %integer_pow3A, %reduce_sum3A_21 [0] : vector<10000x128xf32> to vector<128xf32>
    %broadcast_in_dim3A_23 = vector.shape_cast %reduce_sum3A_22 : vector<128xf32> to vector<1x128xf32>
    %div3A_24 = arith.constant 1.000000e+04 : f32
    %div3A_25 = vector.broadcast %div3A_24 : f32 to vector<1x128xf32>
    %div3A_26 = arith.divf %broadcast_in_dim3A_23, %div3A_25 : vector<1x128xf32>
    %sub3A_27 = vector.broadcast %div3A_19 : vector<1x128xf32> to vector<10000x128xf32>
    %sub3A_28 = arith.subf %add3A, %sub3A_27 : vector<10000x128xf32>
    %add3A_29 = arith.constant 9.99999974E-6 : f32
    %add3A_30 = vector.broadcast %add3A_29 : f32 to vector<1x128xf32>
    %add3A_31 = arith.addf %div3A_26, %add3A_30 : vector<1x128xf32>
    %sqrt3A = math.sqrt %add3A_31 : vector<1x128xf32>
    %div3A_32 = vector.broadcast %sqrt3A : vector<1x128xf32> to vector<10000x128xf32>
    %div3A_33 = arith.divf %sub3A_28, %div3A_32 : vector<10000x128xf32>
    %get3A_34 = arith.constant 0 : index
    %get3A_35 = arith.constant 0 : index
    %get3A_36 = vector.load %arg3[%get3A_34, %get3A_35] : memref<1x128xf32, #tpu.memory_space<vmem>>, vector<1x128xf32>
    %mul3A = vector.broadcast %get3A_36 : vector<1x128xf32> to vector<10000x128xf32>
    %mul3A_37 = arith.mulf %mul3A, %div3A_33 : vector<10000x128xf32>
    %get3A_38 = arith.constant 0 : index
    %get3A_39 = arith.constant 0 : index
    %get3A_40 = vector.load %arg4[%get3A_38, %get3A_39] : memref<1x128xf32, #tpu.memory_space<vmem>>, vector<1x128xf32>
    %add3A_41 = vector.broadcast %get3A_40 : vector<1x128xf32> to vector<10000x128xf32>
    %add3A_42 = arith.addf %mul3A_37, %add3A_41 : vector<10000x128xf32>
    %gt3A_43 = arith.constant 0.000000e+00 : f32
    %gt3A_44 = vector.broadcast %gt3A_43 : f32 to vector<10000x128xf32>
    %gt3A_45 = arith.cmpf ogt, %add3A_42, %gt3A_44 : vector<10000x128xf32>
    %mul3A_46 = arith.constant 0.00999999977 : f32
    %mul3A_47 = vector.broadcast %mul3A_46 : f32 to vector<10000x128xf32>
    %mul3A_48 = arith.mulf %mul3A_47, %add3A_42 : vector<10000x128xf32>
    %select_n3A_49 = arith.select %gt3A_45, %add3A_42, %mul3A_48 : vector<10000x128xi1>, vector<10000x128xf32>
    %swap3A = arith.constant 0 : index
    %swap3A_50 = arith.constant 0 : index
    %swap3A_51 = vector.load %arg5[%swap3A, %swap3A_50] : memref<10000x128xf32, #tpu.memory_space<vmem>>, vector<10000x128xf32>
    tpu.vector_store %arg5[%swap3A, %swap3A_50], %select_n3A_49 {strides = array<i32>} : memref<10000x128xf32, #tpu.memory_space<vmem>>, vector<10000x128xf32>,
    return
  }
}

</mosaic_0001>

<sc_bundles>
// kernel: kernel.10.cloned.1.call-start
scs
__scs_entry_jumppad:
0x0: {  	(pc) =	sbr.rel $0x88, $3  }
0x1: {  	(tag) =	ssettag $0x0;
	lr =	simm.s32 $0x1  }
0x2: {  	[smem:$0x3F91] =	sst lr;
	_ =	strace $0xD0000000  }
0x3: {  	_ = 	snop  }
0x4: {  	_ = 	snop  }
0x5: {  	_ = 	snop  }
0x6: {  	_ = 	snop  }
0x7: {  	_ = 	snop  }
__scs_overlays_trampoline_lowered:
0x8: {  	[smem:$0x3FA0] =	sst s0  }
0x9: {  	[smem:$0x3FA1] =	sst s1  }
0xa: {  	[smem:$0x3FA2] =	sst s2  }
0xb: {  	[smem:$0x3FA3] =	sst s3  }
0xc: {  	[smem:$0x3FA4] =	sst s4  }
0xd: {  	[smem:$0x3FA5] =	sst s5  }
0xe: {  	[smem:$0x3FA6] =	sst s6  }
0xf: {  	[smem:$0x3FA7] =	sst s7  }
0x10: {  	[smem:$0x3FA8] =	sst s8  }
0x11: {  	[smem:$0x3FA9] =	sst s9;
	s0 =	simm.s32 @!p0 $0x0  }
0x12: {  	s1 =	sld [smem:$0x3F8F];
	s0 =	simm.s32 @p0 $0x1  }
0x13: {  	[smem:$0x3FAA] =	sst s0;
	s0 =	simm.s32 @!p1 $0x0  }
0x14: {  	s2 =	sld [smem:$0x3F8E];
	s0 =	simm.s32 @p1 $0x1  }
0x15: {  	[smem:$0x3FAB] =	sst s0;
	s0 =	simm.s32 @!p2 $0x0  }
0x16: {  	s3 =	sld [smem:$0x3FDB];
	s0 =	simm.s32 @p2 $0x1  }
0x17: {  	s4 =	simm.s32 $0x1BF5;
	[smem:$0x3FAD] =	sst s0  }
0x18: {  	s0 =	sld [smem:$0x3F90];
	_ =	swait.ge [sflag:s4], $0x0  }
0x19: {  	s7 =	sld [smem:$0x3F91]  }
0x1a: {  	s8 =	sadd.s32 $0xFFFFE003, lr  }
0x1b: {  	s9 =	sadd.s32 $0xFFFFFEF7, lr;
	s5 =	simm.s32 $0xFFFFFFFF;
	p2 =	slt.u32 s8, $0xFFFFF086  }
0x1c: {  	p1 =	slt.u32 s9, $0xF7A;
	s5 =	simm.s32 @!p2 $0x0  }
0x1d: {  	s5 =	simm.s32 @p1 $0x1;
	p0 =	seq.s32 s7, s2  }
0x1e: {  	s7 =	smul.u32 @!p0 $0xF7A, s2;
	p2 =	seq.s32 @!p0 s5, $0x0  }
0x1f: {  	s9 =	smul.u32 $0xF7A, s1;
	s8 =	simm.s32 @!p0 $0x1BF5;
	p2 =	por !p2, p0  }
0x20: {  	[sflag:s8] =	ssyncset.s32 @!p0 $0xFFFFF086;
	s6 =	sadd.s32 @!p0 s3, s7;
	s7 =	simm.s32 @!p0 $0x108  }
0x21: {  	s3 =	sadd.s32 s3, s9;
	s6 =	sadd.s32 @!p0 $0x88, s6;
	s7 =	simm.s32 @p2 $0x1082  }
0x22: {  	[simem:s7], [sflag:s8] =	dma.local @!p0 [hbm:s6], $0xF7A  }
0x23: {  	s9 =	sor.u32 $0xD0000000, s2;
	s6 =	simm.s32 $0x108;
	_ =	swait.ge @!p0 [sflag:s8], $0x0  }
0x24: {  	s3 =	sadd.s32 $0x88, s3;
	s6 =	simm.s32 @!p1 $0x1082;
	[sflag:s4] =	ssyncset.s32 $0xFFFFF086  }
0x25: {  	[simem:s6], [sflag:s4] =	dma.local [hbm:s3], $0xF7A  }
0x26: {  	[smem:$0x3F91] =	sst s1;
	(tag) =	ssettag s2;
	_ =	strace s9  }
0x27: {  	s1 =	sld [smem:$0x3FA1]  }
0x28: {  	s2 =	sld [smem:$0x3FA2]  }
0x29: {  	s4 =	sld [smem:$0x3FA4]  }
0x2a: {  	p0 =	seq.s32 s5, $0x0;
	s5 =	sld [smem:$0x3FA5]  }
0x2b: {  	s6 =	sld [smem:$0x3FA6]  }
0x2c: {  	s7 =	sld [smem:$0x3FA7]  }
0x2d: {  	s3 =	simm.s32 $0x108;
	s8 =	sld [smem:$0x3FA8]  }
0x2e: {  	s3 =	simm.s32 @!p0 $0x1082;
	s9 =	sld [smem:$0x3FA9]  }
0x2f: {  	lr =	sadd.s32 s0, s3;
	s0 =	sld [smem:$0x3FA0]  }
0x30: {  	s3 =	sld [smem:$0x3FA3]  }
0x31: {  	[smem:$0x3FAC] =	sst s10  }
0x32: {  	s10 =	sld [smem:$0x3FAA];
	_ =	sdelay $0x3  }
0x33: {  	p0 =	seq.s32 s10, $0x1;
	s10 =	sld [smem:$0x3FAC];
	_ =	sdelay $0x3  }
0x34: {  	[smem:$0x3FAC] =	sst s10  }
0x35: {  	s10 =	sld [smem:$0x3FAB];
	_ =	sdelay $0x3  }
0x36: {  	p1 =	seq.s32 s10, $0x1;
	s10 =	sld [smem:$0x3FAC];
	_ =	sdelay $0x3  }
0x37: {  	[smem:$0x3FAC] =	sst s10  }
0x38: {  	s10 =	sld [smem:$0x3FAD]  }
0x39: {  	_ = 	snop;
	(pc) =	sbr.ind lr, $3  }
0x3a: {  	_ = 	snop  }
0x3b: {  	_ = 	snop  }
0x3c: {  	p2 =	seq.s32 s10, $0x1;
	s10 =	sld [smem:$0x3FAC]  }
0x3d: {  	_ =	shalt  }
0x3e: {  	_ =	shalt  }
0x3f: {  	_ =	shalt  }
0x40: {  	_ =	shalt  }
0x41: {  	_ =	shalt  }
0x42: {  	_ =	shalt  }
0x43: {  	_ =	shalt  }
0x44: {  	_ =	shalt  }
0x45: {  	_ =	shalt  }
0x46: {  	_ =	shalt  }
0x47: {  	_ =	shalt  }
0x48: {  	_ =	shalt  }
0x49: {  	_ =	shalt  }
0x4a: {  	_ =	shalt  }
0x4b: {  	_ =	shalt  }
0x4c: {  	_ =	shalt  }
0x4d: {  	_ =	shalt  }
0x4e: {  	_ =	shalt  }
0x4f: {  	_ =	shalt  }
0x50: {  	_ =	shalt  }
0x51: {  	_ =	shalt  }
0x52: {  	_ =	shalt  }
0x53: {  	_ =	shalt  }
0x54: {  	_ =	shalt  }
0x55: {  	_ =	shalt  }
0x56: {  	_ =	shalt  }
0x57: {  	_ =	shalt  }
0x58: {  	_ =	shalt  }
0x59: {  	_ =	shalt  }
0x5a: {  	_ =	shalt  }
0x5b: {  	_ =	shalt  }
0x5c: {  	_ =	shalt  }
0x5d: {  	_ =	shalt  }
0x5e: {  	_ =	shalt  }
0x5f: {  	_ =	shalt  }
0x60: {  	_ =	shalt  }
0x61: {  	_ =	shalt  }
0x62: {  	_ =	shalt  }
0x63: {  	_ =	shalt  }
0x64: {  	_ =	shalt  }
0x65: {  	_ =	shalt  }
0x66: {  	_ =	shalt  }
0x67: {  	_ =	shalt  }
0x68: {  	_ =	shalt  }
0x69: {  	_ =	shalt  }
0x6a: {  	_ =	shalt  }
0x6b: {  	_ =	shalt  }
0x6c: {  	_ =	shalt  }
0x6d: {  	_ =	shalt  }
0x6e: {  	_ =	shalt  }
0x6f: {  	_ =	shalt  }
0x70: {  	_ =	shalt  }
0x71: {  	_ =	shalt  }
0x72: {  	_ =	shalt  }
0x73: {  	_ =	shalt  }
0x74: {  	_ =	shalt  }
0x75: {  	_ =	shalt  }
0x76: {  	_ =	shalt  }
0x77: {  	_ =	shalt  }
0x78: {  	_ =	shalt  }
0x79: {  	_ =	shalt  }
0x7a: {  	_ =	shalt  }
0x7b: {  	_ =	shalt  }
0x7c: {  	_ =	shalt  }
0x7d: {  	_ =	shalt  }
0x7e: {  	_ =	shalt  }
0x7f: {  	_ =	shalt  }
0x80: {  	_ =	shalt  }
0x81: {  	_ =	shalt  }
0x82: {  	_ =	shalt  }
0x83: {  	_ =	shalt  }
0x84: {  	_ =	shalt  }
0x85: {  	_ =	shalt  }
0x86: {  	_ =	shalt  }
0x87: {  	_ =	shalt  }
.Lfunc_end0:
.L_simem_size_0:
called_computation_lowered:
.L_overlay_start_0:
0x88: {  	s2 =	sld [smem:$0x3FD9]  }
0x89: {  	s3 =	sld [smem:$0x3FFE];
	_ =	sdelay $0x1  }
0x8a: {  	s1 =	srdreg.scid  }
0x8b: {  	s0 =	sand.u32 $0x1, s1  }
0x8c: {  	s17 =	sshll.u32 s0, $0xA;
	s2 =	sadd.s32 s3, s2  }
0x8d: {  	s2 =	sadd.s32 s2, s17  }
0x8e: {  	[smem:$0x3FB8] =	sst s2  }
0x8f: {  	_ = 	snop  }
0x90: {  	s2 =	sld [smem:$0x3FD0];
	(tm) =	ssettm $0x1  }
0x91: {  	s18 =	sld [smem:$0x3FFB];
	_ =	sdelay $0x3  }
0x92: {  	_ =	strace s18  }
0x93: {  	s3 =	sld [smem:$0x3FFC];
	_ =	sdelay $0x3  }
0x94: {  	_ =	strace s3  }
0x95: {  	s3 =	sld [smem:$0x3FFD];
	_ =	sdelay $0x3  }
0x96: {  	_ =	strace s3  }
0x97: {  	_ =	strace $0x8FFFFFFF  }
0x98: {  	s19 =	sld [smem:$0x3FDB];
	_ =	sdelay $0x1  }
0x99: {  	s4 =	simm.s32 $_scs_section_size  }
0x9a: {  	s5 =	simm.s32 $_size__tile_overlayer_lowered;
	s6 =	simm.s32 $_tile_overlayer_lowered  }
0x9b: {  	s22 =	simm.s32 $0x1BFF;
	s21 =	sshll.u32 s6, $0x1;
	s3 =	sadd.s32 s4, s19  }
0x9c: {  	s7 =	simm.s32 $0x0;
	s20 =	sshll.u32 s5, $0x1;
	s5 =	sadd.s32 s21, s3  }
0x9d: {  	[timem:s7], [sflag:s22] =	dma.local [hbm:s5], s20  }
0x9e: {  	_ =	swait.ge [sflag:s22], s20  }
0x9f: {  	s4 =	ssub.s32 $0x0, s20;
	[sflag:s22] =	ssyncset.done $0x0  }
0xa0: {  	[sflag:s22] =	ssyncadd.s32 s4;
	_ =	sdelay $0x1  }
0xa1: {  	s23 =	simm.s32 $0x1B8B  }
0xa2: {  	_ =	swait.ge [sflag:s23], $0x1  }
0xa3: {  	[sflag:s23] =	ssyncset.done $0x0  }
0xa4: {  	s25 =	simm.s32 $0x1B8E;
	s24 =	sld [smem:$0x3FFE];
	[sflag:s23] =	ssyncadd.s32 $0xFFFFFFFF  }
0xa5: {  	s26 =	simm.s32 $execute0_lowered;
	[smem:$0x3FD2] =	sst s25  }
0xa6: {  	s5 =	sshll.u32 s26, $0x1;
	_ =	strace $0x80000046;
	[dreg:$0x1] =	wrdreg $0xFFFFFFFF  }
0xa7: {  	s28 =	simm.s32 $_size_execute0_lowered;
	s3 =	sadd.s32 s3, s5;
	[dreg:$0x0] =	wrdreg $0x0  }
0xa8: {  	s5 =	sshll.u32 s28, $0x1;
	[dreg:$0x2] =	wrdreg s3  }
0xa9: {  	[dreg:$0x3] =	wrdreg s5  }
0xaa: {  	[dreg:$0x4] =	wrdreg $0xC0  }
0xab: {  	_ =	task [dreg:s7], $0x5FFFF  }
0xac: {  	[dreg:$0x1] =	wrdreg $0xFFFFFFFF  }
0xad: {  	[dreg:$0x0] =	wrdreg $0x60  }
0xae: {  	[dreg:$0x2] =	wrdreg s2  }
0xaf: {  	[dreg:$0x3] =	wrdreg s24  }
0xb0: {  	[dreg:$0x4] =	wrdreg $0x83000  }
0xb1: {  	[dreg:$0x5] =	wrdreg $0x11F800  }
0xb2: {  	[dreg:$0x6] =	wrdreg $0x9  }
0xb3: {  	_ =	task.clear_ibuf [dreg:s7], $0x7FFFF;
	_ =	strace $0x90000046  }
0xb4: {  	s29 =	simm.s32 $0x9;
	_ =	strace $0x80000048  }
0xb5: {  	_ =	swait.ge [sflag:s29], $0x1  }
0xb6: {  	[sflag:s29] =	ssyncadd.s32 $0xFFFFFFFF  }
0xb7: {  	_ =	strace $0x90000048  }
0xb8: {  	_ =	sfence  }
0xb9: {  	s30 =	sld [smem:$0x0];
	_ =	sdelay $0x2  }
0xba: {  	s31 =	sshll.u32 s1, $0xD;
	s1 =	sshrl.u32 s1, $0x2  }
0xbb: {  	s3 =	sand.u32 $0x4000, s31;
	s1 =	sadd.s32 s1, s30  }
0xbc: {  	s0 =	sor.u32 s3, s0;
	s1 =	sshll.u32 s1, $0x11  }
0xbd: {  	s0 =	sor.u32 s1, s0  }
0xbe: {  	s0 =	sadd.s32 $0x8F2B, s0  }
0xbf: {  	[sflag:s0] =	ssyncadd.remote.s32 $0x1  }
0xc0: {  	_ =	sfence.sel $0xFFFF  }
0xc1: {  	[dreg:$0x0] =	wrdreg $0xFFFFFFFF;
	(pc) =	sbr.abs _section_cstart, $3  }
0xc2: {  	[dreg:$0x1] =	wrdreg $0xFFFFFFFF  }
0xc3: {  	_ =	task.clear_ibuf [dreg:s7], $0x2FFFF;
	_ =	strace $0x9FFFFFFF  }
0xc4: {  	(tm) =	ssettm $0x7FFFFFFF  }
0xc5: {  	_ =	shalt  }
tec
execute0_lowered:
.L_overlay_start_1:
0x0: {  	(tag) =	ssettag $0x1  }
0x1: {  	s0 =	rddreg [dreg:$0x0]  }
0x2: {  	s6 =	rddreg [dreg:$0x1]  }
0x3: {  	s2 =	rddreg [dreg:$0x2]  }
0x4: {  	s3 =	rddreg [dreg:$0x3];
	s4 =	simm.s32 $0x0;
	s1 =	stileid.u32  }
0x5: {  	s8 =	srdreg.scid;
	s20 =	simm.s32 $0x3;
	s21 =	simm.s32 $0x80  }
0x6: {  	s22 =	simm.s32 $0x200;
	s23 =	simm.s32 $0x300;
	s28 =	simm.s32 $0x2  }
0x7: {  	s29 =	simm.s32 $0x0;
	[smem:$0x7FF] =	sst s4;
	s7 =	smul.u32 $0x1380, s1  }
0x8: {  	s5 =	sadd.s32 $0x18400, s6;
	s15 =	sadd.s32 $0x1C6200, s6;
	s10 =	smul.u32 $0x9C00, s1  }
0x9: {  	s8 =	sand.u32 $0x1, s8;
	s16 =	sadd.s32 $0x1ED400, s6;
	s12 =	smul.u32 $0x138, s1  }
0xa: {  	s31 =	sshll.u32 s1, $0x6;
	p0 =	seq.s32 s1, $0xF;
	s18 =	smul.u32 $0x1388, s8  }
0xb: {  	_ =	strace $0x80000047;
	s9 =	ssub.s32 $0x2, s8;
	s8 =	smul.u32 $0x9C400, s8  }
0xc: {  	s7 =	sadd.s32 s7, s6;
	s11 =	sshrl.u32 s9, $0x1;
	s24 =	sadd.s32 s10, s2  }
0xd: {  	s26 =	sadd.s32 s10, s3;
	s10 =	sadd.s32 $0x18A280, s6;
	[dreg:$0x5] =	wrdreg s24  }
0xe: {  	s17 =	ssub.s32 s9, s11;
	s25 =	sadd.s32 $0x177E00, s7;
	[dreg:$0x7] =	wrdreg s26  }
0xf: {  	s7 =	sadd.s32 $0x19F000, s7;
	s11 =	sadd.s32 $0x92400, s3;
	s13 =	sadd.s32 s12, s18  }
0x10: {  	s8 =	sshrl.u32 s8, $0x3;
	s12 =	sadd.s32 $0x1B1480, s6;
	s24 =	simm.s32 $0x1  }
.Ltmp0:
0x11: {  	s26 =	simm.s32 $0x4300;
	[dreg:$0x6] =	wrdreg s25;
	(pc) =	sbr.rel .LBB2_1-.Ltmp0, $4  }
0x12: {  	[dreg:$0x8] =	wrdreg s7;
	s7 =	sadd.s32 $0x92400, s2;
	s30 =	sshll.u32 s13, $0x4  }
0x13: {  	s8 =	sadd.s32 $0x12480, s8;
	s17 =	smax.u32 s17, $0x1;
	s25 =	simm.s32 $0x280  }
0x14: {  	s13 =	sadd.s32 s15, s30;
	s14 =	sadd.s32 s16, s30;
	s15 =	sadd.s32 s15, s8  }
0x15: {  	v1 =	vimm.f32 $1.000000000e+00;
	v0 =	vmov s18;
	s16 =	sadd.s32 s16, s8;
	s8 =	sadd.s32 s31, s0;
	s19 =	sshrl.u32 @p0 s7, $0x3  }
.LBB2_7:
0x16: {  	[bflag:$0x0] =	sbarrier.arrive $0xFFFF;
	s7 =	simm.s32 @p0 $0x1FC2;
	s9 =	simm.s32 @p0 $0x2  }
0x17: {  	[hbm:s15], [sflag:s7] =	dma.local @p0 [spmem:s19], $0x1400  }
0x18: {  	_ =	swait.ge @p0 [sflag:s9], $0x1400  }
0x19: {  	[sflag:s9] =	ssyncset.done @p0 $0x0  }
0x1a: {  	[sflag:s9] =	ssyncadd.s32 @p0 $0xFFFFEC00  }
0x1b: {  	[hbm:s16], [sflag:s7] =	dma.local @p0 [spmem:s31], $0x1400  }
0x1c: {  	_ =	swait.ge @p0 [sflag:s9], $0x1400  }
0x1d: {  	[sflag:s9] =	ssyncset.done @p0 $0x0  }
0x1e: {  	[sflag:s9] =	ssyncadd.s32 @p0 $0xFFFFEC00  }
0x1f: {  	[hbm:s13], [sflag:s30] =	dma.local @!p0 [spmem:s0], $0x1380  }
0x20: {  	s0 =	simm.s32 @!p0 $0x2  }
0x21: {  	s29 =	sadd.s32 $0x1, s29;
	_ =	swait.ge @!p0 [sflag:s0], $0x1380  }
0x22: {  	p1 =	sne.s32 s29, s17;
	[sflag:s0] =	ssyncset.done @!p0 $0x0  }
.Ltmp1:
0x23: {  	[sflag:s0] =	ssyncadd.s32 @!p0 $0xFFFFEC80;
	(pc) =	sbr.rel @!p1 .LBB2_8-.Ltmp1, $4  }
0x24: {  	[hbm:s14], [sflag:s30] =	dma.local @!p0 [spmem:s6], $0x1380  }
0x25: {  	_ =	swait.ge @!p0 [sflag:s0], $0x1380  }
0x26: {  	[sflag:s0] =	ssyncset.done @!p0 $0x0  }
0x27: {  	[sflag:s0] =	ssyncadd.s32 @!p0 $0xFFFFEC80  }
.LBB2_1:
0x28: {  	s0 =	simm.s32 @p0 $0x1FC2;
	s6 =	simm.s32 @p0 $0x2  }
0x29: {  	[spmem:s19], [sflag:s0] =	dma.local @p0 [hbm:s10], $0x1480  }
0x2a: {  	_ =	swait.ge @p0 [sflag:s6], $0x1480  }
0x2b: {  	[sflag:s6] =	ssyncset.done @p0 $0x0  }
0x2c: {  	s31 =	sshrl.u32 @p0 s11, $0x3;
	[sflag:s6] =	ssyncadd.s32 @p0 $0xFFFFEB80  }
0x2d: {  	[spmem:s31], [sflag:s0] =	dma.local @p0 [hbm:s12], $0x1480  }
0x2e: {  	s7 =	simm.s32 @!p0 $0x2;
	s0 =	sshll.u32 @!p0 s1, $0x6;
	_ =	swait.ge @p0 [sflag:s6], $0x1480  }
0x2f: {  	s30 =	sor.u32 @!p0 $0x1C02, s0;
	[sflag:s6] =	ssyncset.done @p0 $0x0;
	s0 =	rddreg [dreg:$0x5]  }
0x30: {  	[sflag:s6] =	ssyncadd.s32 @p0 $0xFFFFEB80;
	s0 =	sshrl.u32 @!p0 s0, $0x3;
	s6 =	rddreg [dreg:$0x6]  }
0x31: {  	[spmem:s0], [sflag:s30] =	dma.local @!p0 [hbm:s6], $0x1380  }
0x32: {  	_ =	swait.ge @!p0 [sflag:s7], $0x1380  }
0x33: {  	[sflag:s7] =	ssyncset.done @!p0 $0x0;
	s6 =	rddreg [dreg:$0x7]  }
0x34: {  	s9 =	rddreg [dreg:$0x8];
	[sflag:s7] =	ssyncadd.s32 @!p0 $0xFFFFEC80;
	s6 =	sshrl.u32 @!p0 s6, $0x3  }
0x35: {  	[spmem:s6], [sflag:s30] =	dma.local @!p0 [hbm:s9], $0x1380  }
0x36: {  	_ =	swait.ge @!p0 [sflag:s7], $0x1380  }
0x37: {  	[sflag:s7] =	ssyncset.done @!p0 $0x0  }
0x38: {  	s18 =	simm.s32 $0x0;
	[sflag:s7] =	ssyncadd.s32 @!p0 $0xFFFFEC80;
	s7 =	simm.s32 $0x200  }
.LBB2_2:
0x39: {  	p1 =	sne.s32 s7, $0xFE00;
	[tilespmem:s18+$0x4300] =	vst v1;
	s18 =	smov.u32 s7;
	s7 =	sadd.s32 $0x200, s7  }
.Ltmp2:
0x3a: {  	(pc) =	sbr.rel @p1 .LBB2_2-.Ltmp2, $2  }
0x3b: {  	_ =	sdelay $0x2  }
0x3c: {  	s18 =	sshra.s32 s18, $0x2  }
.Ltmp3:
0x3d: {  	(pc) =	sbr.rel .LBB2_4-.Ltmp3, $4  }
0x3e: {  	_ = 	snop  }
0x3f: {  	[tilespmem:s18+$0x4300] =	vst v1  }
0x40: {  	[bflag:$0x0] =	sbarrier.arrive $0xFFFF  }
0x41: {  	s7 =	simm.s32 $0x0;
	s18 =	smov.u32 s8  }
.LBB2_6:
0x42: {  	s7 =	sadd.s32 $0x10, s7  }
0x43: {  	p1 =	sne.s32 s7, $0x9D0  }
.Ltmp4:
0x44: {  	_ = 	snop;
	(pc) =	sbr.rel @!p1 .LBB2_7-.Ltmp4, $2  }
0x45: {  	_ =	sdelay $0x2  }
0x46: {  	s18 =	sadd.s32 $0x400, s18  }
.LBB2_4:
0x47: {  	s9 =	sadd.s32 s7, s1  }
0x48: {  	p1 =	sgt.u32 s9, $0x9C3  }
.Ltmp5:
0x49: {  	_ = 	snop;
	(pc) =	sbr.rel @p1 .LBB2_6-.Ltmp5, $1  }
0x4a: {  	_ =	sdelay $0x3  }
0x4b: {  	[tilespmem:s4], [sflag:$0x3] =	stream.linear.gather [hbm4b:s18+s4], $0x180, $0x38;
	[tilespmem:$0x13310] =	vst v63  }
0x4c: {  	_ =	swait.ge [sflag:s20], $0x180  }
0x4d: {  	[sflag:s20] =	ssyncset.done $0x0  }
0x4e: {  	[sflag:s20] =	ssyncadd.s32 $0xFFFFFE80  }
0x4f: {  	v2 =	vld [tilespmem:$0x100]  }
0x50: {  	v3 =	vld [tilespmem:$0x0]  }
0x51: {  	v4 =	vld [tilespmem:$0x80]  }
0x52: {  	v5 =	vld [tilespmem:$0x110]  }
0x53: {  	v6 =	vld [tilespmem:$0x10]  }
0x54: {  	v7 =	vld [tilespmem:$0x90]  }
0x55: {  	v8 =	vld [tilespmem:$0x120]  }
0x56: {  	v9 =	vld [tilespmem:$0x20]  }
0x57: {  	v10 =	vld [tilespmem:$0xA0]  }
0x58: {  	v11 =	vld [tilespmem:$0x130]  }
0x59: {  	v12 =	vld [tilespmem:$0x30]  }
0x5a: {  	v13 =	vld [tilespmem:$0xB0]  }
0x5b: {  	v14 =	vld [tilespmem:$0x140]  }
0x5c: {  	v15 =	vld [tilespmem:$0x40];
	v3 =	vshll.u32 v3, $0x3  }
0x5d: {  	v54 =	vld [tilespmem:$0xC0];
	v2 =	vsub.s32 v2, v0;
	v3 =	vadd.s32 v4, v3  }
0x5e: {  	v55 =	vld [tilespmem:$0x150];
	v2 =	vmin.u32 v2, $0x1388;
	[tilespmem:$0x200] =	vst v3;
	v3 =	vshll.u32 v6, $0x3  }
0x5f: {  	v56 =	vld [tilespmem:$0x50];
	[tilespmem:$0x280] =	vst v2;
	v2 =	vsub.s32 v5, v0;
	v3 =	vadd.s32 v7, v3  }
0x60: {  	v57 =	vld [tilespmem:$0xD0];
	v2 =	vmin.u32 v2, $0x1388;
	[tilespmem:$0x210] =	vst v3;
	v3 =	vshll.u32 v9, $0x3  }
0x61: {  	v58 =	vld [tilespmem:$0x160];
	[tilespmem:$0x290] =	vst v2;
	v2 =	vsub.s32 v8, v0;
	v3 =	vadd.s32 v10, v3  }
0x62: {  	v59 =	vld [tilespmem:$0x60];
	v2 =	vmin.u32 v2, $0x1388;
	[tilespmem:$0x220] =	vst v3;
	v3 =	vshll.u32 v12, $0x3  }
0x63: {  	v60 =	vld [tilespmem:$0xE0];
	[tilespmem:$0x2A0] =	vst v2;
	v2 =	vsub.s32 v11, v0;
	v3 =	vadd.s32 v13, v3  }
0x64: {  	v61 =	vld [tilespmem:$0x170];
	v2 =	vmin.u32 v2, $0x1388;
	[tilespmem:$0x230] =	vst v3;
	v3 =	vshll.u32 v15, $0x3  }
0x65: {  	v62 =	vld [tilespmem:$0x70];
	[tilespmem:$0x2B0] =	vst v2;
	v2 =	vsub.s32 v14, v0;
	v3 =	vadd.s32 v54, v3  }
0x66: {  	v63 =	vld [tilespmem:$0xF0];
	v2 =	vmin.u32 v2, $0x1388;
	[tilespmem:$0x240] =	vst v3;
	v3 =	vshll.u32 v56, $0x3  }
0x67: {  	[tilespmem:$0x2C0] =	vst v2;
	v2 =	vadd.s32 v57, v3;
	v3 =	vsub.s32 v55, v0  }
0x68: {  	[tilespmem:$0x250] =	vst v2;
	v2 =	vmin.u32 v3, $0x1388;
	v3 =	vshll.u32 v59, $0x3  }
0x69: {  	[tilespmem:$0x2D0] =	vst v2;
	v2 =	vadd.s32 v60, v3;
	v3 =	vsub.s32 v58, v0  }
0x6a: {  	[tilespmem:$0x260] =	vst v2;
	v2 =	vmin.u32 v3, $0x1388;
	v3 =	vshll.u32 v62, $0x3  }
0x6b: {  	[tilespmem:$0x2E0] =	vst v2;
	v2 =	vsub.s32 v61, v0;
	v3 =	vadd.s32 v63, v3  }
0x6c: {  	[tilespmem:$0x270] =	vst v3;
	v2 =	vmin.u32 v2, $0x1388  }
0x6d: {  	[tilespmem:$0x2F0] =	vst v2  }
0x6e: {  	[tilespmem:s23], [sflag:$0x1] =	stream.indirect.gather [hbm4b:s5+s21], $0x80, s22, s21, $0xb8;
	[tilespmem:$0x13310] =	vst v63  }
0x6f: {  	_ =	swait.ge [sflag:s24], $0x4000  }
0x70: {  	[sflag:s24] =	ssyncset.done $0x0  }
0x71: {  	[sflag:s24] =	ssyncadd.s32 $0xFFFFC000  }
0x72: {  	[spmem:s2] =	stream.indirect.scatter.add.f32 [tilespmem:s23], [sflag:$0x3], $0x80, s25, s21, $0xb8;
	[tilespmem:$0x13310] =	vst v63  }
0x73: {  	_ =	swait.ge [sflag:s20], $0x4000  }
0x74: {  	[sflag:s20] =	ssyncset.done $0x0  }
.Ltmp6:
0x75: {  	[sflag:s20] =	ssyncadd.s32 $0xFFFFC000;
	(pc) =	sbr.rel .LBB2_6-.Ltmp6, $4  }
0x76: {  	[spmem:s3] =	stream.indirect.scatter.add.f32 [tilespmem:s26], [sflag:$0x2], $0x10, s25, s21, $0xb8;
	[tilespmem:$0x13310] =	vst v63  }
0x77: {  	_ =	swait.ge [sflag:s28], $0x800  }
0x78: {  	[sflag:s28] =	ssyncset.done $0x0  }
0x79: {  	[sflag:s28] =	ssyncadd.s32 $0xFFFFF800  }
.LBB2_8:
0x7a: {  	_ =	sfence.sel $0x180000  }
0x7b: {  	[bflag:$0x0] =	sbarrier.arrive $0xFFFF  }
0x7c: {  	_ =	strace $0x90000047  }
0x7d: {  	[bflag:$0x2] =	sbarrier.arrive $0xFFFF  }
0x7e: {  	p0 =	sne.s32 s1, $0x0;
	s0 =	rddreg [dreg:$0x4]  }
0x7f: {  	s0 =	sadd.s32 @!p0 $0x100000, s0  }
0x80: {  	[sflag:s0] =	ssyncadd.tile.s32 @!p0 $0x1;
	_ =	shalt  }
.Lfunc_end2:
_tile_overlayer_lowered:
.L_overlay_start_2:
0x81: {  	(tag) =	ssettag $0x2  }
0x82: {  	s0 =	rddreg [dreg:$0x0];
	s2 =	stileid.u32  }
0x83: {  	s1 =	rddreg [dreg:$0x1];
	p0 =	sne.s32 s2, $0x0  }
0x84: {  	s3 =	rddreg [dreg:$0x2];
	[bflag:$0x3] =	sbarrier.arrive $0xFFFF;
	s2 =	simm.s32 @!p0 $0x1C02  }
0x85: {  	[timem:s3], [sflag:s2] =	dma.local @!p0 [hbm:s0], s1  }
0x86: {  	s0 =	simm.s32 @!p0 $0x2  }
0x87: {  	_ =	swait.ge @!p0 [sflag:s0], s1  }
0x88: {  	s1 =	ssub.s32 @!p0 $0x0, s1;
	[sflag:s0] =	ssyncset.done @!p0 $0x0  }
0x89: {  	[sflag:s0] =	ssyncadd.s32 @!p0 s1  }
0x8a: {  	[bflag:$0x3] =	sbarrier.arrive $0xFFFF  }
0x8b: {  	_ =	shalt  }

// kernel: kernel.13.cloned.1.call-start
scs
__scs_entry_jumppad:
0x0: {  	(pc) =	sbr.rel $0x88, $3  }
0x1: {  	(tag) =	ssettag $0x0;
	lr =	simm.s32 $0x1  }
0x2: {  	[smem:$0x3F91] =	sst lr;
	_ =	strace $0xD0000000  }
0x3: {  	_ = 	snop  }
0x4: {  	_ = 	snop  }
0x5: {  	_ = 	snop  }
0x6: {  	_ = 	snop  }
0x7: {  	_ = 	snop  }
__scs_overlays_trampoline_lowered:
0x8: {  	[smem:$0x3FA0] =	sst s0  }
0x9: {  	[smem:$0x3FA1] =	sst s1  }
0xa: {  	[smem:$0x3FA2] =	sst s2  }
0xb: {  	[smem:$0x3FA3] =	sst s3  }
0xc: {  	[smem:$0x3FA4] =	sst s4  }
0xd: {  	[smem:$0x3FA5] =	sst s5  }
0xe: {  	[smem:$0x3FA6] =	sst s6  }
0xf: {  	[smem:$0x3FA7] =	sst s7  }
0x10: {  	[smem:$0x3FA8] =	sst s8  }
0x11: {  	[smem:$0x3FA9] =	sst s9;
	s0 =	simm.s32 @!p0 $0x0  }
0x12: {  	s1 =	sld [smem:$0x3F8F];
	s0 =	simm.s32 @p0 $0x1  }
0x13: {  	[smem:$0x3FAA] =	sst s0;
	s0 =	simm.s32 @!p1 $0x0  }
0x14: {  	s2 =	sld [smem:$0x3F8E];
	s0 =	simm.s32 @p1 $0x1  }
0x15: {  	[smem:$0x3FAB] =	sst s0;
	s0 =	simm.s32 @!p2 $0x0  }
0x16: {  	s3 =	sld [smem:$0x3FDB];
	s0 =	simm.s32 @p2 $0x1  }
0x17: {  	s4 =	simm.s32 $0x1BF5;
	[smem:$0x3FAD] =	sst s0  }
0x18: {  	s0 =	sld [smem:$0x3F90];
	_ =	swait.ge [sflag:s4], $0x0  }
0x19: {  	s7 =	sld [smem:$0x3F91]  }
0x1a: {  	s8 =	sadd.s32 $0xFFFFE003, lr  }
0x1b: {  	s9 =	sadd.s32 $0xFFFFFEF7, lr;
	s5 =	simm.s32 $0xFFFFFFFF;
	p2 =	slt.u32 s8, $0xFFFFF086  }
0x1c: {  	p1 =	slt.u32 s9, $0xF7A;
	s5 =	simm.s32 @!p2 $0x0  }
0x1d: {  	s5 =	simm.s32 @p1 $0x1;
	p0 =	seq.s32 s7, s2  }
0x1e: {  	s7 =	smul.u32 @!p0 $0xF7A, s2;
	p2 =	seq.s32 @!p0 s5, $0x0  }
0x1f: {  	s9 =	smul.u32 $0xF7A, s1;
	s8 =	simm.s32 @!p0 $0x1BF5;
	p2 =	por !p2, p0  }
0x20: {  	[sflag:s8] =	ssyncset.s32 @!p0 $0xFFFFF086;
	s6 =	sadd.s32 @!p0 s3, s7;
	s7 =	simm.s32 @!p0 $0x108  }
0x21: {  	s3 =	sadd.s32 s3, s9;
	s6 =	sadd.s32 @!p0 $0x88, s6;
	s7 =	simm.s32 @p2 $0x1082  }
0x22: {  	[simem:s7], [sflag:s8] =	dma.local @!p0 [hbm:s6], $0xF7A  }
0x23: {  	s9 =	sor.u32 $0xD0000000, s2;
	s6 =	simm.s32 $0x108;
	_ =	swait.ge @!p0 [sflag:s8], $0x0  }
0x24: {  	s3 =	sadd.s32 $0x88, s3;
	s6 =	simm.s32 @!p1 $0x1082;
	[sflag:s4] =	ssyncset.s32 $0xFFFFF086  }
0x25: {  	[simem:s6], [sflag:s4] =	dma.local [hbm:s3], $0xF7A  }
0x26: {  	[smem:$0x3F91] =	sst s1;
	(tag) =	ssettag s2;
	_ =	strace s9  }
0x27: {  	s1 =	sld [smem:$0x3FA1]  }
0x28: {  	s2 =	sld [smem:$0x3FA2]  }
0x29: {  	s4 =	sld [smem:$0x3FA4]  }
0x2a: {  	p0 =	seq.s32 s5, $0x0;
	s5 =	sld [smem:$0x3FA5]  }
0x2b: {  	s6 =	sld [smem:$0x3FA6]  }
0x2c: {  	s7 =	sld [smem:$0x3FA7]  }
0x2d: {  	s3 =	simm.s32 $0x108;
	s8 =	sld [smem:$0x3FA8]  }
0x2e: {  	s3 =	simm.s32 @!p0 $0x1082;
	s9 =	sld [smem:$0x3FA9]  }
0x2f: {  	lr =	sadd.s32 s0, s3;
	s0 =	sld [smem:$0x3FA0]  }
0x30: {  	s3 =	sld [smem:$0x3FA3]  }
0x31: {  	[smem:$0x3FAC] =	sst s10  }
0x32: {  	s10 =	sld [smem:$0x3FAA];
	_ =	sdelay $0x3  }
0x33: {  	p0 =	seq.s32 s10, $0x1;
	s10 =	sld [smem:$0x3FAC];
	_ =	sdelay $0x3  }
0x34: {  	[smem:$0x3FAC] =	sst s10  }
0x35: {  	s10 =	sld [smem:$0x3FAB];
	_ =	sdelay $0x3  }
0x36: {  	p1 =	seq.s32 s10, $0x1;
	s10 =	sld [smem:$0x3FAC];
	_ =	sdelay $0x3  }
0x37: {  	[smem:$0x3FAC] =	sst s10  }
0x38: {  	s10 =	sld [smem:$0x3FAD]  }
0x39: {  	_ = 	snop;
	(pc) =	sbr.ind lr, $3  }
0x3a: {  	_ = 	snop  }
0x3b: {  	_ = 	snop  }
0x3c: {  	p2 =	seq.s32 s10, $0x1;
	s10 =	sld [smem:$0x3FAC]  }
0x3d: {  	_ =	shalt  }
0x3e: {  	_ =	shalt  }
0x3f: {  	_ =	shalt  }
0x40: {  	_ =	shalt  }
0x41: {  	_ =	shalt  }
0x42: {  	_ =	shalt  }
0x43: {  	_ =	shalt  }
0x44: {  	_ =	shalt  }
0x45: {  	_ =	shalt  }
0x46: {  	_ =	shalt  }
0x47: {  	_ =	shalt  }
0x48: {  	_ =	shalt  }
0x49: {  	_ =	shalt  }
0x4a: {  	_ =	shalt  }
0x4b: {  	_ =	shalt  }
0x4c: {  	_ =	shalt  }
0x4d: {  	_ =	shalt  }
0x4e: {  	_ =	shalt  }
0x4f: {  	_ =	shalt  }
0x50: {  	_ =	shalt  }
0x51: {  	_ =	shalt  }
0x52: {  	_ =	shalt  }
0x53: {  	_ =	shalt  }
0x54: {  	_ =	shalt  }
0x55: {  	_ =	shalt  }
0x56: {  	_ =	shalt  }
0x57: {  	_ =	shalt  }
0x58: {  	_ =	shalt  }
0x59: {  	_ =	shalt  }
0x5a: {  	_ =	shalt  }
0x5b: {  	_ =	shalt  }
0x5c: {  	_ =	shalt  }
0x5d: {  	_ =	shalt  }
0x5e: {  	_ =	shalt  }
0x5f: {  	_ =	shalt  }
0x60: {  	_ =	shalt  }
0x61: {  	_ =	shalt  }
0x62: {  	_ =	shalt  }
0x63: {  	_ =	shalt  }
0x64: {  	_ =	shalt  }
0x65: {  	_ =	shalt  }
0x66: {  	_ =	shalt  }
0x67: {  	_ =	shalt  }
0x68: {  	_ =	shalt  }
0x69: {  	_ =	shalt  }
0x6a: {  	_ =	shalt  }
0x6b: {  	_ =	shalt  }
0x6c: {  	_ =	shalt  }
0x6d: {  	_ =	shalt  }
0x6e: {  	_ =	shalt  }
0x6f: {  	_ =	shalt  }
0x70: {  	_ =	shalt  }
0x71: {  	_ =	shalt  }
0x72: {  	_ =	shalt  }
0x73: {  	_ =	shalt  }
0x74: {  	_ =	shalt  }
0x75: {  	_ =	shalt  }
0x76: {  	_ =	shalt  }
0x77: {  	_ =	shalt  }
0x78: {  	_ =	shalt  }
0x79: {  	_ =	shalt  }
0x7a: {  	_ =	shalt  }
0x7b: {  	_ =	shalt  }
0x7c: {  	_ =	shalt  }
0x7d: {  	_ =	shalt  }
0x7e: {  	_ =	shalt  }
0x7f: {  	_ =	shalt  }
0x80: {  	_ =	shalt  }
0x81: {  	_ =	shalt  }
0x82: {  	_ =	shalt  }
0x83: {  	_ =	shalt  }
0x84: {  	_ =	shalt  }
0x85: {  	_ =	shalt  }
0x86: {  	_ =	shalt  }
0x87: {  	_ =	shalt  }
.Lfunc_end0:
.L_simem_size_0:
called_computation.1_lowered:
.L_overlay_start_0:
0x88: {  	s2 =	sld [smem:$0x3FD9]  }
0x89: {  	s3 =	sld [smem:$0x3FFE];
	_ =	sdelay $0x1  }
0x8a: {  	s1 =	srdreg.scid  }
0x8b: {  	s0 =	sand.u32 $0x1, s1  }
0x8c: {  	s17 =	sshll.u32 s0, $0xA;
	s2 =	sadd.s32 s3, s2  }
0x8d: {  	s2 =	sadd.s32 s2, s17  }
0x8e: {  	[smem:$0x3FB8] =	sst s2  }
0x8f: {  	_ = 	snop  }
0x90: {  	(tm) =	ssettm $0x1  }
0x91: {  	s18 =	sld [smem:$0x3FFB];
	_ =	sdelay $0x3  }
0x92: {  	_ =	strace s18  }
0x93: {  	s2 =	sld [smem:$0x3FFC];
	_ =	sdelay $0x3  }
0x94: {  	_ =	strace s2  }
0x95: {  	s2 =	sld [smem:$0x3FFD];
	_ =	sdelay $0x3  }
0x96: {  	_ =	strace s2  }
0x97: {  	_ =	strace $0x8FFFFFFF  }
0x98: {  	s19 =	sld [smem:$0x3FDB];
	_ =	sdelay $0x1  }
0x99: {  	s20 =	simm.s32 $_scs_section_size  }
0x9a: {  	s4 =	simm.s32 $_size__tile_overlayer_lowered;
	s5 =	simm.s32 $_tile_overlayer_lowered  }
0x9b: {  	s6 =	simm.s32 $0x1BFF;
	s21 =	sshll.u32 s5, $0x1;
	s3 =	sadd.s32 s20, s19  }
0x9c: {  	s22 =	simm.s32 $0x0;
	s4 =	sshll.u32 s4, $0x1;
	s5 =	sadd.s32 s21, s3  }
0x9d: {  	[timem:s22], [sflag:s6] =	dma.local [hbm:s5], s4  }
0x9e: {  	_ =	swait.ge [sflag:s6], s4  }
0x9f: {  	s4 =	ssub.s32 $0x0, s4;
	[sflag:s6] =	ssyncset.done $0x0  }
0xa0: {  	[sflag:s6] =	ssyncadd.s32 s4;
	_ =	sdelay $0x1  }
0xa1: {  	s23 =	simm.s32 $0x1B8B  }
0xa2: {  	_ =	swait.ge [sflag:s23], $0x1  }
0xa3: {  	[sflag:s23] =	ssyncset.done $0x0  }
0xa4: {  	[sflag:s23] =	ssyncadd.s32 $0xFFFFFFFF  }
0xa5: {  	s4 =	sld [smem:$0x0]  }
0xa6: {  	s5 =	sand.u32 $0xFFFFFFFE, s1  }
0xa7: {  	p0 =	sne.s32 s1, s5  }
0xa8: {  	s5 =	sshll.u32 @p0 s5, $0xE  }
0xa9: {  	s5 =	sadd.s32 @p0 $0x11B8D, s5;
	s6 =	sshll.u32 @p0 s4, $0x11  }
0xaa: {  	s5 =	sor.u32 @p0 s6, s5  }
0xab: {  	[sflag:s5] =	ssyncadd.remote.s32 @p0 $0x1;
	_ =	sdelay $0x1  }
0xac: {  	s5 =	simm.s32 @p0 $0x1B8D  }
0xad: {  	_ =	swait.eq @p0 [sflag:s5], $0x1  }
0xae: {  	[sflag:s5] =	ssyncadd.s32 @p0 $0xFFFFFFFF  }
0xaf: {  	s6 =	sshll.u32 @!p0 s1, $0xE  }
0xb0: {  	s6 =	sor.u32 @!p0 $0x4000, s6;
	s5 =	simm.s32 @!p0 $0x1B8D  }
0xb1: {  	s4 =	sshll.u32 @!p0 s4, $0x11;
	s6 =	sadd.s32 @!p0 $0x11B8D, s6;
	_ =	swait.eq @!p0 [sflag:s5], $0x1  }
0xb2: {  	s4 =	sor.u32 @!p0 s4, s6;
	[sflag:s5] =	ssyncadd.s32 @!p0 $0xFFFFFFFF  }
0xb3: {  	s25 =	simm.s32 $0x1B8E;
	s24 =	sld [smem:$0x3FFE];
	[sflag:s4] =	ssyncadd.remote.s32 @!p0 $0x1  }
0xb4: {  	s26 =	simm.s32 $execute0_lowered;
	[smem:$0x3FD2] =	sst s25  }
0xb5: {  	s5 =	sshll.u32 s26, $0x1;
	_ =	strace $0x8000004C;
	[dreg:$0x1] =	wrdreg $0xFFFFFFFF  }
0xb6: {  	s28 =	simm.s32 $_size_execute0_lowered;
	s3 =	sadd.s32 s3, s5;
	[dreg:$0x0] =	wrdreg $0x0  }
0xb7: {  	s5 =	sshll.u32 s28, $0x1;
	[dreg:$0x2] =	wrdreg s3  }
0xb8: {  	[dreg:$0x3] =	wrdreg s5  }
0xb9: {  	[dreg:$0x4] =	wrdreg $0xC0  }
0xba: {  	_ =	task [dreg:s22], $0x5FFFF  }
0xbb: {  	[dreg:$0x1] =	wrdreg $0xFFFFFFFF  }
0xbc: {  	[dreg:$0x0] =	wrdreg $0x60  }
0xbd: {  	[dreg:$0x2] =	wrdreg s24  }
0xbe: {  	[dreg:$0x3] =	wrdreg $0x9  }
0xbf: {  	_ =	task.clear_ibuf [dreg:s22], $0x4FFFF;
	_ =	strace $0x9000004C  }
0xc0: {  	s29 =	simm.s32 $0x9;
	_ =	strace $0x8000004E  }
0xc1: {  	_ =	swait.ge [sflag:s29], $0x1  }
0xc2: {  	[sflag:s29] =	ssyncadd.s32 $0xFFFFFFFF  }
0xc3: {  	_ =	strace $0x9000004E  }
0xc4: {  	_ =	sfence  }
0xc5: {  	s30 =	sld [smem:$0x0];
	_ =	sdelay $0x2  }
0xc6: {  	s31 =	sshll.u32 s1, $0xD;
	s1 =	sshrl.u32 s1, $0x2  }
0xc7: {  	s4 =	sand.u32 $0x4000, s31;
	s1 =	sadd.s32 s1, s30  }
0xc8: {  	s0 =	sor.u32 s4, s0;
	s1 =	sshll.u32 s1, $0x11  }
0xc9: {  	s0 =	sor.u32 s1, s0  }
0xca: {  	s0 =	sadd.s32 $0x8F2B, s0  }
0xcb: {  	[sflag:s0] =	ssyncadd.remote.s32 $0x1  }
0xcc: {  	_ =	sfence.sel $0xFFFF  }
0xcd: {  	[dreg:$0x0] =	wrdreg $0xFFFFFFFF;
	(pc) =	sbr.abs _section_cstart, $3  }
0xce: {  	[dreg:$0x1] =	wrdreg $0xFFFFFFFF  }
0xcf: {  	_ =	task.clear_ibuf [dreg:s22], $0x2FFFF;
	_ =	strace $0x9FFFFFFF  }
0xd0: {  	(tm) =	ssettm $0x7FFFFFFF  }
0xd1: {  	_ =	shalt  }
tec
execute0_lowered:
.L_overlay_start_1:
0x0: {  	(tag) =	ssettag $0x1  }
0x1: {  	s3 =	rddreg [dreg:$0x0];
	s2 =	srdreg.scid  }
0x2: {  	s0 =	rddreg [dreg:$0x1];
	s1 =	simm.s32 $0x0;
	s4 =	sand.u32 $0x1, s2  }
0x3: {  	[smem:$0x7FF] =	sst s1;
	s2 =	sshll.u32 s4, $0x8  }
0x4: {  	_ =	strace $0x8000004D;
	s6 =	ssub.s32 $0x2, s4;
	s7 =	sshll.u32 s4, $0xF  }
0x5: {  	s9 =	sshll.u32 s4, $0x4;
	s5 =	sadd.s32 s2, s3;
	s2 =	stileid.u32  }
0x6: {  	s8 =	sshrl.u32 s6, $0x1;
	s7 =	sadd.s32 s7, s3;
	s3 =	sadd.s32 $0x66600, s3  }
0x7: {  	s6 =	ssub.s32 s6, s8;
	s29 =	sshll.u32 s2, $0x4;
	s30 =	sshll.u32 s2, $0xB  }
0x8: {  	s5 =	sadd.s32 s29, s5;
	s4 =	smax.u32 s6, $0x1;
	s31 =	sadd.s32 s30, s7  }
0x9: {  	s7 =	sor.u32 s9, s2;
	s5 =	sadd.s32 $0xE600, s5;
	s6 =	sadd.s32 $0x6A8200, s31  }
.LBB2_1:
0xa: {  	s8 =	sadd.s32 $0x0, s7  }
0xb: {  	p0 =	sgt.u32 s8, $0x9C3  }
0xc: {  	s8 =	simm.s32 @!p0 $0x0;
	s9 =	simm.s32 @!p0 $0x3  }
0xd: {  	[tilespmem:s8], [sflag:$0x3] =	stream.linear.gather @!p0 [hbm4b:s5+s8], $0x80, $0x38;
	[tilespmem:$0x4080] =	vst v63  }
0xe: {  	_ =	swait.ge @!p0 [sflag:s9], $0x80  }
0xf: {  	[sflag:s9] =	ssyncset.done @!p0 $0x0;
	p0 =	por p0, p0  }
0x10: {  	[sflag:s9] =	ssyncadd.s32 @!p0 $0xFFFFFF80;
	s10 =	simm.s32 @!p0 $0x80;
	s11 =	simm.s32 @!p0 $0x1  }
0x11: {  	[tilespmem:s10], [sflag:$0x1] =	stream.indirect.gather @!p0 [hbm4b:s3+s10], $0x80, s8, s10, $0xb8;
	[tilespmem:$0x4080] =	vst v63  }
0x12: {  	_ =	swait.ge @!p0 [sflag:s11], $0x4000  }
0x13: {  	[sflag:s11] =	ssyncset.done @!p0 $0x0  }
0x14: {  	s31 =	sadd.s32 $0x20, s7;
	[sflag:s11] =	ssyncadd.s32 @!p0 $0xFFFFC000;
	s11 =	simm.s32 @!p0 $0x2  }
0x15: {  	[hbm4b:s6+s8] =	stream.linear.scatter @!p0 [tilespmem:s10], [sflag:$0x2], $0x4000, $0x38;
	[tilespmem:$0x4080] =	vst v63  }
0x16: {  	p1 =	sgt.u32 s31, $0x9C3;
	s9 =	simm.s32 $0x40;
	_ =	swait.ge @!p0 [sflag:s11], $0x4000  }
0x17: {  	s8 =	sadd.s32 $0x10000, s6;
	s10 =	sadd.s32 $0x200, s5;
	[sflag:s11] =	ssyncset.done @!p0 $0x0  }
.LBB2_2:
0x18: {  	s12 =	simm.s32 @!p1 $0x0;
	s13 =	simm.s32 @!p1 $0x3;
	[sflag:s11] =	ssyncadd.s32 @!p0 $0xFFFFC000  }
0x19: {  	[tilespmem:s12], [sflag:$0x3] =	stream.linear.gather @!p1 [hbm4b:s10+s12], $0x80, $0x38;
	[tilespmem:$0x4080] =	vst v63  }
0x1a: {  	s14 =	smov.u32 s9;
	s9 =	sadd.s32 $0x20, s9;
	_ =	swait.ge @!p1 [sflag:s13], $0x80  }
0x1b: {  	p0 =	por p1, p1;
	p2 =	sne.s32 s9, $0x9E0;
	[sflag:s13] =	ssyncset.done @!p1 $0x0  }
0x1c: {  	s11 =	simm.s32 @!p0 $0x1;
	[sflag:s13] =	ssyncadd.s32 @!p0 $0xFFFFFF80;
	s13 =	simm.s32 @!p0 $0x80  }
0x1d: {  	[tilespmem:s13], [sflag:$0x1] =	stream.indirect.gather @!p0 [hbm4b:s3+s13], $0x80, s12, s13, $0xb8;
	[tilespmem:$0x4080] =	vst v63  }
0x1e: {  	_ =	swait.ge @!p0 [sflag:s11], $0x4000  }
.Ltmp0:
0x1f: {  	[sflag:s11] =	ssyncset.done @!p0 $0x0;
	(pc) =	sbr.rel @p2 .LBB2_2-.Ltmp0, $4  }
0x20: {  	[sflag:s11] =	ssyncadd.s32 @!p0 $0xFFFFC000;
	s11 =	simm.s32 @!p0 $0x2  }
0x21: {  	[hbm4b:s8+s12] =	stream.linear.scatter @!p0 [tilespmem:s13], [sflag:$0x2], $0x4000, $0x38;
	[tilespmem:$0x4080] =	vst v63  }
0x22: {  	s12 =	sadd.s32 s14, s7;
	s8 =	sadd.s32 $0x10000, s8;
	_ =	swait.ge @!p0 [sflag:s11], $0x4000  }
0x23: {  	s10 =	sadd.s32 $0x200, s10;
	p1 =	sgt.u32 s12, $0x9C3;
	[sflag:s11] =	ssyncset.done @!p0 $0x0  }
0x24: {  	s9 =	simm.s32 @!p1 $0x0;
	s12 =	simm.s32 @!p1 $0x3;
	[sflag:s11] =	ssyncadd.s32 @!p0 $0xFFFFC000  }
0x25: {  	[tilespmem:s9], [sflag:$0x3] =	stream.linear.gather @!p1 [hbm4b:s10+s9], $0x80, $0x38;
	[tilespmem:$0x4080] =	vst v63  }
0x26: {  	_ =	swait.ge @!p1 [sflag:s12], $0x80  }
0x27: {  	p0 =	por p1, p1;
	[sflag:s12] =	ssyncset.done @!p1 $0x0  }
0x28: {  	s10 =	simm.s32 @!p0 $0x80;
	s11 =	simm.s32 @!p0 $0x1;
	[sflag:s12] =	ssyncadd.s32 @!p0 $0xFFFFFF80  }
0x29: {  	[tilespmem:s10], [sflag:$0x1] =	stream.indirect.gather @!p0 [hbm4b:s3+s10], $0x80, s9, s10, $0xb8;
	[tilespmem:$0x4080] =	vst v63  }
0x2a: {  	s1 =	sadd.s32 $0x1, s1;
	_ =	swait.ge @!p0 [sflag:s11], $0x4000  }
0x2b: {  	p1 =	sne.s32 s1, s4;
	[sflag:s11] =	ssyncset.done @!p0 $0x0  }
.Ltmp1:
0x2c: {  	[sflag:s11] =	ssyncadd.s32 @!p0 $0xFFFFC000;
	s11 =	simm.s32 @!p0 $0x2;
	(pc) =	sbr.rel @p1 .LBB2_1-.Ltmp1, $4  }
0x2d: {  	[hbm4b:s8+s9] =	stream.linear.scatter @!p0 [tilespmem:s10], [sflag:$0x2], $0x4000, $0x38;
	[tilespmem:$0x4080] =	vst v63  }
0x2e: {  	_ =	swait.ge @!p0 [sflag:s11], $0x4000  }
0x2f: {  	[sflag:s11] =	ssyncset.done @!p0 $0x0  }
0x30: {  	[sflag:s11] =	ssyncadd.s32 @!p0 $0xFFFFC000  }
0x31: {  	_ =	sfence.sel $0x180000  }
0x32: {  	[bflag:$0x0] =	sbarrier.arrive $0xFFFF  }
0x33: {  	p0 =	sne.s32 s2, $0x0;
	_ =	strace $0x9000004D  }
0x34: {  	s0 =	sadd.s32 @!p0 $0x100000, s0;
	[bflag:$0x2] =	sbarrier.arrive $0xFFFF  }
0x35: {  	[sflag:s0] =	ssyncadd.tile.s32 @!p0 $0x1;
	_ =	shalt  }
.Lfunc_end2:
_tile_overlayer_lowered:
.L_overlay_start_2:
0x36: {  	(tag) =	ssettag $0x2  }
0x37: {  	s0 =	rddreg [dreg:$0x0];
	s2 =	stileid.u32  }
0x38: {  	s1 =	rddreg [dreg:$0x1];
	p0 =	sne.s32 s2, $0x0  }
0x39: {  	s3 =	rddreg [dreg:$0x2];
	[bflag:$0x3] =	sbarrier.arrive $0xFFFF;
	s2 =	simm.s32 @!p0 $0x1C02  }
0x3a: {  	[timem:s3], [sflag:s2] =	dma.local @!p0 [hbm:s0], s1  }
0x3b: {  	s0 =	simm.s32 @!p0 $0x2  }
0x3c: {  	_ =	swait.ge @!p0 [sflag:s0], s1  }
0x3d: {  	s1 =	ssub.s32 @!p0 $0x0, s1;
	[sflag:s0] =	ssyncset.done @!p0 $0x0  }
0x3e: {  	[sflag:s0] =	ssyncadd.s32 @!p0 s1  }
0x3f: {  	[bflag:$0x3] =	sbarrier.arrive $0xFFFF  }
0x40: {  	_ =	shalt  }

// kernel: kernel.16.cloned.1.call-start
scs
__scs_entry_jumppad:
0x0: {  	(pc) =	sbr.rel $0x88, $3  }
0x1: {  	(tag) =	ssettag $0x0;
	lr =	simm.s32 $0x1  }
0x2: {  	[smem:$0x3F91] =	sst lr;
	_ =	strace $0xD0000000  }
0x3: {  	_ = 	snop  }
0x4: {  	_ = 	snop  }
0x5: {  	_ = 	snop  }
0x6: {  	_ = 	snop  }
0x7: {  	_ = 	snop  }
__scs_overlays_trampoline_lowered:
0x8: {  	[smem:$0x3FA0] =	sst s0  }
0x9: {  	[smem:$0x3FA1] =	sst s1  }
0xa: {  	[smem:$0x3FA2] =	sst s2  }
0xb: {  	[smem:$0x3FA3] =	sst s3  }
0xc: {  	[smem:$0x3FA4] =	sst s4  }
0xd: {  	[smem:$0x3FA5] =	sst s5  }
0xe: {  	[smem:$0x3FA6] =	sst s6  }
0xf: {  	[smem:$0x3FA7] =	sst s7  }
0x10: {  	[smem:$0x3FA8] =	sst s8  }
0x11: {  	[smem:$0x3FA9] =	sst s9;
	s0 =	simm.s32 @!p0 $0x0  }
0x12: {  	s1 =	sld [smem:$0x3F8F];
	s0 =	simm.s32 @p0 $0x1  }
0x13: {  	[smem:$0x3FAA] =	sst s0;
	s0 =	simm.s32 @!p1 $0x0  }
0x14: {  	s2 =	sld [smem:$0x3F8E];
	s0 =	simm.s32 @p1 $0x1  }
0x15: {  	[smem:$0x3FAB] =	sst s0;
	s0 =	simm.s32 @!p2 $0x0  }
0x16: {  	s3 =	sld [smem:$0x3FDB];
	s0 =	simm.s32 @p2 $0x1  }
0x17: {  	s4 =	simm.s32 $0x1BF5;
	[smem:$0x3FAD] =	sst s0  }
0x18: {  	s0 =	sld [smem:$0x3F90];
	_ =	swait.ge [sflag:s4], $0x0  }
0x19: {  	s7 =	sld [smem:$0x3F91]  }
0x1a: {  	s8 =	sadd.s32 $0xFFFFE003, lr  }
0x1b: {  	s9 =	sadd.s32 $0xFFFFFEF7, lr;
	s5 =	simm.s32 $0xFFFFFFFF;
	p2 =	slt.u32 s8, $0xFFFFF086  }
0x1c: {  	p1 =	slt.u32 s9, $0xF7A;
	s5 =	simm.s32 @!p2 $0x0  }
0x1d: {  	s5 =	simm.s32 @p1 $0x1;
	p0 =	seq.s32 s7, s2  }
0x1e: {  	s7 =	smul.u32 @!p0 $0xF7A, s2;
	p2 =	seq.s32 @!p0 s5, $0x0  }
0x1f: {  	s9 =	smul.u32 $0xF7A, s1;
	s8 =	simm.s32 @!p0 $0x1BF5;
	p2 =	por !p2, p0  }
0x20: {  	[sflag:s8] =	ssyncset.s32 @!p0 $0xFFFFF086;
	s6 =	sadd.s32 @!p0 s3, s7;
	s7 =	simm.s32 @!p0 $0x108  }
0x21: {  	s3 =	sadd.s32 s3, s9;
	s6 =	sadd.s32 @!p0 $0x88, s6;
	s7 =	simm.s32 @p2 $0x1082  }
0x22: {  	[simem:s7], [sflag:s8] =	dma.local @!p0 [hbm:s6], $0xF7A  }
0x23: {  	s9 =	sor.u32 $0xD0000000, s2;
	s6 =	simm.s32 $0x108;
	_ =	swait.ge @!p0 [sflag:s8], $0x0  }
0x24: {  	s3 =	sadd.s32 $0x88, s3;
	s6 =	simm.s32 @!p1 $0x1082;
	[sflag:s4] =	ssyncset.s32 $0xFFFFF086  }
0x25: {  	[simem:s6], [sflag:s4] =	dma.local [hbm:s3], $0xF7A  }
0x26: {  	[smem:$0x3F91] =	sst s1;
	(tag) =	ssettag s2;
	_ =	strace s9  }
0x27: {  	s1 =	sld [smem:$0x3FA1]  }
0x28: {  	s2 =	sld [smem:$0x3FA2]  }
0x29: {  	s4 =	sld [smem:$0x3FA4]  }
0x2a: {  	p0 =	seq.s32 s5, $0x0;
	s5 =	sld [smem:$0x3FA5]  }
0x2b: {  	s6 =	sld [smem:$0x3FA6]  }
0x2c: {  	s7 =	sld [smem:$0x3FA7]  }
0x2d: {  	s3 =	simm.s32 $0x108;
	s8 =	sld [smem:$0x3FA8]  }
0x2e: {  	s3 =	simm.s32 @!p0 $0x1082;
	s9 =	sld [smem:$0x3FA9]  }
0x2f: {  	lr =	sadd.s32 s0, s3;
	s0 =	sld [smem:$0x3FA0]  }
0x30: {  	s3 =	sld [smem:$0x3FA3]  }
0x31: {  	[smem:$0x3FAC] =	sst s10  }
0x32: {  	s10 =	sld [smem:$0x3FAA];
	_ =	sdelay $0x3  }
0x33: {  	p0 =	seq.s32 s10, $0x1;
	s10 =	sld [smem:$0x3FAC];
	_ =	sdelay $0x3  }
0x34: {  	[smem:$0x3FAC] =	sst s10  }
0x35: {  	s10 =	sld [smem:$0x3FAB];
	_ =	sdelay $0x3  }
0x36: {  	p1 =	seq.s32 s10, $0x1;
	s10 =	sld [smem:$0x3FAC];
	_ =	sdelay $0x3  }
0x37: {  	[smem:$0x3FAC] =	sst s10  }
0x38: {  	s10 =	sld [smem:$0x3FAD]  }
0x39: {  	_ = 	snop;
	(pc) =	sbr.ind lr, $3  }
0x3a: {  	_ = 	snop  }
0x3b: {  	_ = 	snop  }
0x3c: {  	p2 =	seq.s32 s10, $0x1;
	s10 =	sld [smem:$0x3FAC]  }
0x3d: {  	_ =	shalt  }
0x3e: {  	_ =	shalt  }
0x3f: {  	_ =	shalt  }
0x40: {  	_ =	shalt  }
0x41: {  	_ =	shalt  }
0x42: {  	_ =	shalt  }
0x43: {  	_ =	shalt  }
0x44: {  	_ =	shalt  }
0x45: {  	_ =	shalt  }
0x46: {  	_ =	shalt  }
0x47: {  	_ =	shalt  }
0x48: {  	_ =	shalt  }
0x49: {  	_ =	shalt  }
0x4a: {  	_ =	shalt  }
0x4b: {  	_ =	shalt  }
0x4c: {  	_ =	shalt  }
0x4d: {  	_ =	shalt  }
0x4e: {  	_ =	shalt  }
0x4f: {  	_ =	shalt  }
0x50: {  	_ =	shalt  }
0x51: {  	_ =	shalt  }
0x52: {  	_ =	shalt  }
0x53: {  	_ =	shalt  }
0x54: {  	_ =	shalt  }
0x55: {  	_ =	shalt  }
0x56: {  	_ =	shalt  }
0x57: {  	_ =	shalt  }
0x58: {  	_ =	shalt  }
0x59: {  	_ =	shalt  }
0x5a: {  	_ =	shalt  }
0x5b: {  	_ =	shalt  }
0x5c: {  	_ =	shalt  }
0x5d: {  	_ =	shalt  }
0x5e: {  	_ =	shalt  }
0x5f: {  	_ =	shalt  }
0x60: {  	_ =	shalt  }
0x61: {  	_ =	shalt  }
0x62: {  	_ =	shalt  }
0x63: {  	_ =	shalt  }
0x64: {  	_ =	shalt  }
0x65: {  	_ =	shalt  }
0x66: {  	_ =	shalt  }
0x67: {  	_ =	shalt  }
0x68: {  	_ =	shalt  }
0x69: {  	_ =	shalt  }
0x6a: {  	_ =	shalt  }
0x6b: {  	_ =	shalt  }
0x6c: {  	_ =	shalt  }
0x6d: {  	_ =	shalt  }
0x6e: {  	_ =	shalt  }
0x6f: {  	_ =	shalt  }
0x70: {  	_ =	shalt  }
0x71: {  	_ =	shalt  }
0x72: {  	_ =	shalt  }
0x73: {  	_ =	shalt  }
0x74: {  	_ =	shalt  }
0x75: {  	_ =	shalt  }
0x76: {  	_ =	shalt  }
0x77: {  	_ =	shalt  }
0x78: {  	_ =	shalt  }
0x79: {  	_ =	shalt  }
0x7a: {  	_ =	shalt  }
0x7b: {  	_ =	shalt  }
0x7c: {  	_ =	shalt  }
0x7d: {  	_ =	shalt  }
0x7e: {  	_ =	shalt  }
0x7f: {  	_ =	shalt  }
0x80: {  	_ =	shalt  }
0x81: {  	_ =	shalt  }
0x82: {  	_ =	shalt  }
0x83: {  	_ =	shalt  }
0x84: {  	_ =	shalt  }
0x85: {  	_ =	shalt  }
0x86: {  	_ =	shalt  }
0x87: {  	_ =	shalt  }
.Lfunc_end0:
.L_simem_size_0:
called_computation.2_lowered:
.L_overlay_start_0:
0x88: {  	s2 =	sld [smem:$0x3FD9]  }
0x89: {  	s3 =	sld [smem:$0x3FFE];
	_ =	sdelay $0x1  }
0x8a: {  	s1 =	srdreg.scid  }
0x8b: {  	s0 =	sand.u32 $0x1, s1  }
0x8c: {  	s16 =	sshll.u32 s0, $0xA;
	s2 =	sadd.s32 s3, s2  }
0x8d: {  	s2 =	sadd.s32 s2, s16  }
0x8e: {  	[smem:$0x3FB8] =	sst s2  }
0x8f: {  	_ = 	snop  }
0x90: {  	(tm) =	ssettm $0x1  }
0x91: {  	s17 =	sld [smem:$0x3FFB];
	_ =	sdelay $0x3  }
0x92: {  	_ =	strace s17  }
0x93: {  	s2 =	sld [smem:$0x3FFC];
	_ =	sdelay $0x3  }
0x94: {  	_ =	strace s2  }
0x95: {  	s2 =	sld [smem:$0x3FFD];
	_ =	sdelay $0x3  }
0x96: {  	_ =	strace s2  }
0x97: {  	_ =	strace $0x8FFFFFFF  }
0x98: {  	s18 =	sld [smem:$0x3FDB];
	_ =	sdelay $0x1  }
0x99: {  	s19 =	simm.s32 $_scs_section_size  }
0x9a: {  	s4 =	simm.s32 $_size__tile_overlayer_lowered;
	s5 =	simm.s32 $_tile_overlayer_lowered  }
0x9b: {  	s22 =	simm.s32 $0x1BFF;
	s21 =	sshll.u32 s5, $0x1;
	s2 =	sadd.s32 s19, s18  }
0x9c: {  	s6 =	simm.s32 $0x0;
	s20 =	sshll.u32 s4, $0x1;
	s4 =	sadd.s32 s21, s2  }
0x9d: {  	[timem:s6], [sflag:s22] =	dma.local [hbm:s4], s20  }
0x9e: {  	_ =	swait.ge [sflag:s22], s20  }
0x9f: {  	s3 =	ssub.s32 $0x0, s20;
	[sflag:s22] =	ssyncset.done $0x0  }
0xa0: {  	[sflag:s22] =	ssyncadd.s32 s3;
	_ =	sdelay $0x1  }
0xa1: {  	s23 =	simm.s32 $0x1B8B  }
0xa2: {  	_ =	swait.ge [sflag:s23], $0x1  }
0xa3: {  	[sflag:s23] =	ssyncset.done $0x0  }
0xa4: {  	s25 =	simm.s32 $0x1B8E;
	s24 =	sld [smem:$0x3FFE];
	[sflag:s23] =	ssyncadd.s32 $0xFFFFFFFF  }
0xa5: {  	s26 =	simm.s32 $execute0_lowered;
	[smem:$0x3FD2] =	sst s25  }
0xa6: {  	s4 =	sshll.u32 s26, $0x1;
	_ =	strace $0x80000049;
	[dreg:$0x1] =	wrdreg $0xFFFFFFFF  }
0xa7: {  	s28 =	simm.s32 $_size_execute0_lowered;
	s2 =	sadd.s32 s2, s4;
	[dreg:$0x0] =	wrdreg $0x0  }
0xa8: {  	s4 =	sshll.u32 s28, $0x1;
	[dreg:$0x2] =	wrdreg s2  }
0xa9: {  	[dreg:$0x3] =	wrdreg s4  }
0xaa: {  	[dreg:$0x4] =	wrdreg $0xC0  }
0xab: {  	_ =	task [dreg:s6], $0x5FFFF  }
0xac: {  	[dreg:$0x1] =	wrdreg $0xFFFFFFFF  }
0xad: {  	[dreg:$0x0] =	wrdreg $0x60  }
0xae: {  	[dreg:$0x2] =	wrdreg s24  }
0xaf: {  	[dreg:$0x3] =	wrdreg $0xA  }
0xb0: {  	_ =	task.clear_ibuf [dreg:s6], $0x4FFFF;
	_ =	strace $0x90000049  }
0xb1: {  	s29 =	simm.s32 $0xA;
	_ =	strace $0x8000004B  }
0xb2: {  	_ =	swait.ge [sflag:s29], $0x1  }
0xb3: {  	[sflag:s29] =	ssyncadd.s32 $0xFFFFFFFF  }
0xb4: {  	_ =	strace $0x9000004B  }
0xb5: {  	_ =	sfence  }
0xb6: {  	s30 =	sld [smem:$0x0];
	_ =	sdelay $0x2  }
0xb7: {  	s31 =	sshll.u32 s1, $0xD;
	s1 =	sshrl.u32 s1, $0x2  }
0xb8: {  	s3 =	sand.u32 $0x4000, s31;
	s1 =	sadd.s32 s1, s30  }
0xb9: {  	s0 =	sor.u32 s3, s0;
	s1 =	sshll.u32 s1, $0x11  }
0xba: {  	s0 =	sor.u32 s1, s0  }
0xbb: {  	s0 =	sadd.s32 $0x8F2B, s0  }
0xbc: {  	[sflag:s0] =	ssyncadd.remote.s32 $0x1  }
0xbd: {  	_ =	sfence.sel $0xFFFF  }
0xbe: {  	[dreg:$0x0] =	wrdreg $0xFFFFFFFF;
	(pc) =	sbr.abs _section_cstart, $3  }
0xbf: {  	[dreg:$0x1] =	wrdreg $0xFFFFFFFF  }
0xc0: {  	_ =	task.clear_ibuf [dreg:s6], $0x2FFFF;
	_ =	strace $0x9FFFFFFF  }
0xc1: {  	(tm) =	ssettm $0x7FFFFFFF  }
tec
execute0_lowered:
.L_overlay_start_1:
0x0: {  	(tag) =	ssettag $0x1  }
0x1: {  	s3 =	rddreg [dreg:$0x0];
	s2 =	srdreg.scid  }
0x2: {  	s0 =	rddreg [dreg:$0x1];
	s1 =	simm.s32 $0x0;
	s4 =	sand.u32 $0x1, s2  }
0x3: {  	[smem:$0x7FF] =	sst s1;
	s2 =	sshll.u32 s4, $0x8  }
0x4: {  	_ =	strace $0x8000004A;
	s6 =	ssub.s32 $0x2, s4;
	s7 =	sshll.u32 s4, $0xF  }
0x5: {  	s9 =	sshll.u32 s4, $0x4;
	s5 =	sadd.s32 s2, s3;
	s2 =	stileid.u32  }
0x6: {  	s8 =	sshrl.u32 s6, $0x1;
	s7 =	sadd.s32 s7, s3;
	s3 =	sadd.s32 $0xB4A00, s3  }
0x7: {  	s6 =	ssub.s32 s6, s8;
	s29 =	sshll.u32 s2, $0x4;
	s30 =	sshll.u32 s2, $0xB  }
0x8: {  	s5 =	sadd.s32 s29, s5;
	s4 =	smax.u32 s6, $0x1;
	s31 =	sadd.s32 s30, s7  }
0x9: {  	s7 =	sor.u32 s9, s2;
	s5 =	sadd.s32 $0x4800, s5;
	s6 =	sadd.s32 $0x1C6200, s31  }
.LBB2_1:
0xa: {  	s8 =	sadd.s32 $0x0, s7  }
0xb: {  	p0 =	sgt.u32 s8, $0x9C3  }
0xc: {  	s8 =	simm.s32 @!p0 $0x0;
	s9 =	simm.s32 @!p0 $0x3  }
0xd: {  	[tilespmem:s8], [sflag:$0x3] =	stream.linear.gather @!p0 [hbm4b:s5+s8], $0x80, $0x38;
	[tilespmem:$0x4080] =	vst v63  }
0xe: {  	_ =	swait.ge @!p0 [sflag:s9], $0x80  }
0xf: {  	[sflag:s9] =	ssyncset.done @!p0 $0x0;
	p0 =	por p0, p0  }
0x10: {  	[sflag:s9] =	ssyncadd.s32 @!p0 $0xFFFFFF80;
	s10 =	simm.s32 @!p0 $0x80;
	s11 =	simm.s32 @!p0 $0x1  }
0x11: {  	[tilespmem:s10], [sflag:$0x1] =	stream.indirect.gather @!p0 [hbm4b:s3+s10], $0x80, s8, s10, $0xb8;
	[tilespmem:$0x4080] =	vst v63  }
0x12: {  	_ =	swait.ge @!p0 [sflag:s11], $0x4000  }
0x13: {  	[sflag:s11] =	ssyncset.done @!p0 $0x0  }
0x14: {  	s31 =	sadd.s32 $0x20, s7;
	[sflag:s11] =	ssyncadd.s32 @!p0 $0xFFFFC000;
	s11 =	simm.s32 @!p0 $0x2  }
0x15: {  	[hbm4b:s6+s8] =	stream.linear.scatter @!p0 [tilespmem:s10], [sflag:$0x2], $0x4000, $0x38;
	[tilespmem:$0x4080] =	vst v63  }
0x16: {  	p1 =	sgt.u32 s31, $0x9C3;
	s9 =	simm.s32 $0x40;
	_ =	swait.ge @!p0 [sflag:s11], $0x4000  }
0x17: {  	s8 =	sadd.s32 $0x10000, s6;
	s10 =	sadd.s32 $0x200, s5;
	[sflag:s11] =	ssyncset.done @!p0 $0x0  }
.LBB2_2:
0x18: {  	s12 =	simm.s32 @!p1 $0x0;
	s13 =	simm.s32 @!p1 $0x3;
	[sflag:s11] =	ssyncadd.s32 @!p0 $0xFFFFC000  }
0x19: {  	[tilespmem:s12], [sflag:$0x3] =	stream.linear.gather @!p1 [hbm4b:s10+s12], $0x80, $0x38;
	[tilespmem:$0x4080] =	vst v63  }
0x1a: {  	s14 =	smov.u32 s9;
	s9 =	sadd.s32 $0x20, s9;
	_ =	swait.ge @!p1 [sflag:s13], $0x80  }
0x1b: {  	p0 =	por p1, p1;
	p2 =	sne.s32 s9, $0x9E0;
	[sflag:s13] =	ssyncset.done @!p1 $0x0  }
0x1c: {  	s11 =	simm.s32 @!p0 $0x1;
	[sflag:s13] =	ssyncadd.s32 @!p0 $0xFFFFFF80;
	s13 =	simm.s32 @!p0 $0x80  }
0x1d: {  	[tilespmem:s13], [sflag:$0x1] =	stream.indirect.gather @!p0 [hbm4b:s3+s13], $0x80, s12, s13, $0xb8;
	[tilespmem:$0x4080] =	vst v63  }
0x1e: {  	_ =	swait.ge @!p0 [sflag:s11], $0x4000  }
.Ltmp0:
0x1f: {  	[sflag:s11] =	ssyncset.done @!p0 $0x0;
	(pc) =	sbr.rel @p2 .LBB2_2-.Ltmp0, $4  }
0x20: {  	[sflag:s11] =	ssyncadd.s32 @!p0 $0xFFFFC000;
	s11 =	simm.s32 @!p0 $0x2  }
0x21: {  	[hbm4b:s8+s12] =	stream.linear.scatter @!p0 [tilespmem:s13], [sflag:$0x2], $0x4000, $0x38;
	[tilespmem:$0x4080] =	vst v63  }
0x22: {  	s12 =	sadd.s32 s14, s7;
	s8 =	sadd.s32 $0x10000, s8;
	_ =	swait.ge @!p0 [sflag:s11], $0x4000  }
0x23: {  	s10 =	sadd.s32 $0x200, s10;
	p1 =	sgt.u32 s12, $0x9C3;
	[sflag:s11] =	ssyncset.done @!p0 $0x0  }
0x24: {  	s9 =	simm.s32 @!p1 $0x0;
	s12 =	simm.s32 @!p1 $0x3;
	[sflag:s11] =	ssyncadd.s32 @!p0 $0xFFFFC000  }
0x25: {  	[tilespmem:s9], [sflag:$0x3] =	stream.linear.gather @!p1 [hbm4b:s10+s9], $0x80, $0x38;
	[tilespmem:$0x4080] =	vst v63  }
0x26: {  	_ =	swait.ge @!p1 [sflag:s12], $0x80  }
0x27: {  	p0 =	por p1, p1;
	[sflag:s12] =	ssyncset.done @!p1 $0x0  }
0x28: {  	s10 =	simm.s32 @!p0 $0x80;
	s11 =	simm.s32 @!p0 $0x1;
	[sflag:s12] =	ssyncadd.s32 @!p0 $0xFFFFFF80  }
0x29: {  	[tilespmem:s10], [sflag:$0x1] =	stream.indirect.gather @!p0 [hbm4b:s3+s10], $0x80, s9, s10, $0xb8;
	[tilespmem:$0x4080] =	vst v63  }
0x2a: {  	s1 =	sadd.s32 $0x1, s1;
	_ =	swait.ge @!p0 [sflag:s11], $0x4000  }
0x2b: {  	p1 =	sne.s32 s1, s4;
	[sflag:s11] =	ssyncset.done @!p0 $0x0  }
.Ltmp1:
0x2c: {  	[sflag:s11] =	ssyncadd.s32 @!p0 $0xFFFFC000;
	s11 =	simm.s32 @!p0 $0x2;
	(pc) =	sbr.rel @p1 .LBB2_1-.Ltmp1, $4  }
0x2d: {  	[hbm4b:s8+s9] =	stream.linear.scatter @!p0 [tilespmem:s10], [sflag:$0x2], $0x4000, $0x38;
	[tilespmem:$0x4080] =	vst v63  }
0x2e: {  	_ =	swait.ge @!p0 [sflag:s11], $0x4000  }
0x2f: {  	[sflag:s11] =	ssyncset.done @!p0 $0x0  }
0x30: {  	[sflag:s11] =	ssyncadd.s32 @!p0 $0xFFFFC000  }
0x31: {  	_ =	sfence.sel $0x180000  }
0x32: {  	[bflag:$0x0] =	sbarrier.arrive $0xFFFF  }
0x33: {  	p0 =	sne.s32 s2, $0x0;
	_ =	strace $0x9000004A  }
0x34: {  	s0 =	sadd.s32 @!p0 $0x100000, s0;
	[bflag:$0x2] =	sbarrier.arrive $0xFFFF  }
0x35: {  	[sflag:s0] =	ssyncadd.tile.s32 @!p0 $0x1;
	_ =	shalt  }
.Lfunc_end2:
_tile_overlayer_lowered:
.L_overlay_start_2:
0x36: {  	(tag) =	ssettag $0x2  }
0x37: {  	s0 =	rddreg [dreg:$0x0];
	s2 =	stileid.u32  }
0x38: {  	s1 =	rddreg [dreg:$0x1];
	p0 =	sne.s32 s2, $0x0  }
0x39: {  	s3 =	rddreg [dreg:$0x2];
	[bflag:$0x3] =	sbarrier.arrive $0xFFFF;
	s2 =	simm.s32 @!p0 $0x1C02  }
0x3a: {  	[timem:s3], [sflag:s2] =	dma.local @!p0 [hbm:s0], s1  }
0x3b: {  	s0 =	simm.s32 @!p0 $0x2  }
0x3c: {  	_ =	swait.ge @!p0 [sflag:s0], s1  }
0x3d: {  	s1 =	ssub.s32 @!p0 $0x0, s1;
	[sflag:s0] =	ssyncset.done @!p0 $0x0  }
0x3e: {  	[sflag:s0] =	ssyncadd.s32 @!p0 s1  }
0x3f: {  	[bflag:$0x3] =	sbarrier.arrive $0xFFFF  }
0x40: {  	_ =	shalt  }

// kernel: kernel.19.cloned.1.call-start
scs
__scs_entry_jumppad:
0x0: {  	(pc) =	sbr.rel $0x88, $3  }
0x1: {  	(tag) =	ssettag $0x0;
	lr =	simm.s32 $0x1  }
0x2: {  	[smem:$0x3F91] =	sst lr;
	_ =	strace $0xD0000000  }
0x3: {  	_ = 	snop  }
0x4: {  	_ = 	snop  }
0x5: {  	_ = 	snop  }
0x6: {  	_ = 	snop  }
0x7: {  	_ = 	snop  }
__scs_overlays_trampoline_lowered:
0x8: {  	[smem:$0x3FA0] =	sst s0  }
0x9: {  	[smem:$0x3FA1] =	sst s1  }
0xa: {  	[smem:$0x3FA2] =	sst s2  }
0xb: {  	[smem:$0x3FA3] =	sst s3  }
0xc: {  	[smem:$0x3FA4] =	sst s4  }
0xd: {  	[smem:$0x3FA5] =	sst s5  }
0xe: {  	[smem:$0x3FA6] =	sst s6  }
0xf: {  	[smem:$0x3FA7] =	sst s7  }
0x10: {  	[smem:$0x3FA8] =	sst s8  }
0x11: {  	[smem:$0x3FA9] =	sst s9;
	s0 =	simm.s32 @!p0 $0x0  }
0x12: {  	s1 =	sld [smem:$0x3F8F];
	s0 =	simm.s32 @p0 $0x1  }
0x13: {  	[smem:$0x3FAA] =	sst s0;
	s0 =	simm.s32 @!p1 $0x0  }
0x14: {  	s2 =	sld [smem:$0x3F8E];
	s0 =	simm.s32 @p1 $0x1  }
0x15: {  	[smem:$0x3FAB] =	sst s0;
	s0 =	simm.s32 @!p2 $0x0  }
0x16: {  	s3 =	sld [smem:$0x3FDB];
	s0 =	simm.s32 @p2 $0x1  }
0x17: {  	s4 =	simm.s32 $0x1BF5;
	[smem:$0x3FAD] =	sst s0  }
0x18: {  	s0 =	sld [smem:$0x3F90];
	_ =	swait.ge [sflag:s4], $0x0  }
0x19: {  	s7 =	sld [smem:$0x3F91]  }
0x1a: {  	s8 =	sadd.s32 $0xFFFFE003, lr  }
0x1b: {  	s9 =	sadd.s32 $0xFFFFFEF7, lr;
	s5 =	simm.s32 $0xFFFFFFFF;
	p2 =	slt.u32 s8, $0xFFFFF086  }
0x1c: {  	p1 =	slt.u32 s9, $0xF7A;
	s5 =	simm.s32 @!p2 $0x0  }
0x1d: {  	s5 =	simm.s32 @p1 $0x1;
	p0 =	seq.s32 s7, s2  }
0x1e: {  	s7 =	smul.u32 @!p0 $0xF7A, s2;
	p2 =	seq.s32 @!p0 s5, $0x0  }
0x1f: {  	s9 =	smul.u32 $0xF7A, s1;
	s8 =	simm.s32 @!p0 $0x1BF5;
	p2 =	por !p2, p0  }
0x20: {  	[sflag:s8] =	ssyncset.s32 @!p0 $0xFFFFF086;
	s6 =	sadd.s32 @!p0 s3, s7;
	s7 =	simm.s32 @!p0 $0x108  }
0x21: {  	s3 =	sadd.s32 s3, s9;
	s6 =	sadd.s32 @!p0 $0x88, s6;
	s7 =	simm.s32 @p2 $0x1082  }
0x22: {  	[simem:s7], [sflag:s8] =	dma.local @!p0 [hbm:s6], $0xF7A  }
0x23: {  	s9 =	sor.u32 $0xD0000000, s2;
	s6 =	simm.s32 $0x108;
	_ =	swait.ge @!p0 [sflag:s8], $0x0  }
0x24: {  	s3 =	sadd.s32 $0x88, s3;
	s6 =	simm.s32 @!p1 $0x1082;
	[sflag:s4] =	ssyncset.s32 $0xFFFFF086  }
0x25: {  	[simem:s6], [sflag:s4] =	dma.local [hbm:s3], $0xF7A  }
0x26: {  	[smem:$0x3F91] =	sst s1;
	(tag) =	ssettag s2;
	_ =	strace s9  }
0x27: {  	s1 =	sld [smem:$0x3FA1]  }
0x28: {  	s2 =	sld [smem:$0x3FA2]  }
0x29: {  	s4 =	sld [smem:$0x3FA4]  }
0x2a: {  	p0 =	seq.s32 s5, $0x0;
	s5 =	sld [smem:$0x3FA5]  }
0x2b: {  	s6 =	sld [smem:$0x3FA6]  }
0x2c: {  	s7 =	sld [smem:$0x3FA7]  }
0x2d: {  	s3 =	simm.s32 $0x108;
	s8 =	sld [smem:$0x3FA8]  }
0x2e: {  	s3 =	simm.s32 @!p0 $0x1082;
	s9 =	sld [smem:$0x3FA9]  }
0x2f: {  	lr =	sadd.s32 s0, s3;
	s0 =	sld [smem:$0x3FA0]  }
0x30: {  	s3 =	sld [smem:$0x3FA3]  }
0x31: {  	[smem:$0x3FAC] =	sst s10  }
0x32: {  	s10 =	sld [smem:$0x3FAA];
	_ =	sdelay $0x3  }
0x33: {  	p0 =	seq.s32 s10, $0x1;
	s10 =	sld [smem:$0x3FAC];
	_ =	sdelay $0x3  }
0x34: {  	[smem:$0x3FAC] =	sst s10  }
0x35: {  	s10 =	sld [smem:$0x3FAB];
	_ =	sdelay $0x3  }
0x36: {  	p1 =	seq.s32 s10, $0x1;
	s10 =	sld [smem:$0x3FAC];
	_ =	sdelay $0x3  }
0x37: {  	[smem:$0x3FAC] =	sst s10  }
0x38: {  	s10 =	sld [smem:$0x3FAD]  }
0x39: {  	_ = 	snop;
	(pc) =	sbr.ind lr, $3  }
0x3a: {  	_ = 	snop  }
0x3b: {  	_ = 	snop  }
0x3c: {  	p2 =	seq.s32 s10, $0x1;
	s10 =	sld [smem:$0x3FAC]  }
0x3d: {  	_ =	shalt  }
0x3e: {  	_ =	shalt  }
0x3f: {  	_ =	shalt  }
0x40: {  	_ =	shalt  }
0x41: {  	_ =	shalt  }
0x42: {  	_ =	shalt  }
0x43: {  	_ =	shalt  }
0x44: {  	_ =	shalt  }
0x45: {  	_ =	shalt  }
0x46: {  	_ =	shalt  }
0x47: {  	_ =	shalt  }
0x48: {  	_ =	shalt  }
0x49: {  	_ =	shalt  }
0x4a: {  	_ =	shalt  }
0x4b: {  	_ =	shalt  }
0x4c: {  	_ =	shalt  }
0x4d: {  	_ =	shalt  }
0x4e: {  	_ =	shalt  }
0x4f: {  	_ =	shalt  }
0x50: {  	_ =	shalt  }
0x51: {  	_ =	shalt  }
0x52: {  	_ =	shalt  }
0x53: {  	_ =	shalt  }
0x54: {  	_ =	shalt  }
0x55: {  	_ =	shalt  }
0x56: {  	_ =	shalt  }
0x57: {  	_ =	shalt  }
0x58: {  	_ =	shalt  }
0x59: {  	_ =	shalt  }
0x5a: {  	_ =	shalt  }
0x5b: {  	_ =	shalt  }
0x5c: {  	_ =	shalt  }
0x5d: {  	_ =	shalt  }
0x5e: {  	_ =	shalt  }
0x5f: {  	_ =	shalt  }
0x60: {  	_ =	shalt  }
0x61: {  	_ =	shalt  }
0x62: {  	_ =	shalt  }
0x63: {  	_ =	shalt  }
0x64: {  	_ =	shalt  }
0x65: {  	_ =	shalt  }
0x66: {  	_ =	shalt  }
0x67: {  	_ =	shalt  }
0x68: {  	_ =	shalt  }
0x69: {  	_ =	shalt  }
0x6a: {  	_ =	shalt  }
0x6b: {  	_ =	shalt  }
0x6c: {  	_ =	shalt  }
0x6d: {  	_ =	shalt  }
0x6e: {  	_ =	shalt  }
0x6f: {  	_ =	shalt  }
0x70: {  	_ =	shalt  }
0x71: {  	_ =	shalt  }
0x72: {  	_ =	shalt  }
0x73: {  	_ =	shalt  }
0x74: {  	_ =	shalt  }
0x75: {  	_ =	shalt  }
0x76: {  	_ =	shalt  }
0x77: {  	_ =	shalt  }
0x78: {  	_ =	shalt  }
0x79: {  	_ =	shalt  }
0x7a: {  	_ =	shalt  }
0x7b: {  	_ =	shalt  }
0x7c: {  	_ =	shalt  }
0x7d: {  	_ =	shalt  }
0x7e: {  	_ =	shalt  }
0x7f: {  	_ =	shalt  }
0x80: {  	_ =	shalt  }
0x81: {  	_ =	shalt  }
0x82: {  	_ =	shalt  }
0x83: {  	_ =	shalt  }
0x84: {  	_ =	shalt  }
0x85: {  	_ =	shalt  }
0x86: {  	_ =	shalt  }
0x87: {  	_ =	shalt  }
.Lfunc_end0:
.L_simem_size_0:
called_computation.3_lowered:
.L_overlay_start_0:
0x88: {  	s2 =	sld [smem:$0x3FD9]  }
0x89: {  	s3 =	sld [smem:$0x3FFE];
	_ =	sdelay $0x1  }
0x8a: {  	s1 =	srdreg.scid  }
0x8b: {  	s0 =	sand.u32 $0x1, s1  }
0x8c: {  	s17 =	sshll.u32 s0, $0xA;
	s2 =	sadd.s32 s3, s2  }
0x8d: {  	s2 =	sadd.s32 s2, s17  }
0x8e: {  	[smem:$0x3FB8] =	sst s2  }
0x8f: {  	_ = 	snop  }
0x90: {  	s2 =	sld [smem:$0x3FD0];
	(tm) =	ssettm $0x1  }
0x91: {  	s18 =	sld [smem:$0x3FFB];
	_ =	sdelay $0x3  }
0x92: {  	_ =	strace s18  }
0x93: {  	s3 =	sld [smem:$0x3FFC];
	_ =	sdelay $0x3  }
0x94: {  	_ =	strace s3  }
0x95: {  	s3 =	sld [smem:$0x3FFD];
	_ =	sdelay $0x3  }
0x96: {  	_ =	strace s3  }
0x97: {  	_ =	strace $0x8FFFFFFF  }
0x98: {  	s19 =	sld [smem:$0x3FDB];
	_ =	sdelay $0x1  }
0x99: {  	s4 =	simm.s32 $_scs_section_size  }
0x9a: {  	s5 =	simm.s32 $_size__tile_overlayer_lowered;
	s6 =	simm.s32 $_tile_overlayer_lowered  }
0x9b: {  	s22 =	simm.s32 $0x1BFF;
	s21 =	sshll.u32 s6, $0x1;
	s3 =	sadd.s32 s4, s19  }
0x9c: {  	s7 =	simm.s32 $0x0;
	s20 =	sshll.u32 s5, $0x1;
	s5 =	sadd.s32 s21, s3  }
0x9d: {  	[timem:s7], [sflag:s22] =	dma.local [hbm:s5], s20  }
0x9e: {  	_ =	swait.ge [sflag:s22], s20  }
0x9f: {  	s4 =	ssub.s32 $0x0, s20;
	[sflag:s22] =	ssyncset.done $0x0  }
0xa0: {  	[sflag:s22] =	ssyncadd.s32 s4;
	_ =	sdelay $0x1  }
0xa1: {  	s23 =	simm.s32 $0x1B8B  }
0xa2: {  	_ =	swait.ge [sflag:s23], $0x1  }
0xa3: {  	[sflag:s23] =	ssyncset.done $0x0  }
0xa4: {  	s25 =	simm.s32 $0x1B8E;
	s24 =	sld [smem:$0x3FFE];
	[sflag:s23] =	ssyncadd.s32 $0xFFFFFFFF  }
0xa5: {  	s26 =	simm.s32 $execute0_lowered;
	[smem:$0x3FD2] =	sst s25  }
0xa6: {  	s5 =	sshll.u32 s26, $0x1;
	_ =	strace $0x8000004F;
	[dreg:$0x1] =	wrdreg $0xFFFFFFFF  }
0xa7: {  	s28 =	simm.s32 $_size_execute0_lowered;
	s3 =	sadd.s32 s3, s5;
	[dreg:$0x0] =	wrdreg $0x0  }
0xa8: {  	s5 =	sshll.u32 s28, $0x1;
	[dreg:$0x2] =	wrdreg s3  }
0xa9: {  	[dreg:$0x3] =	wrdreg s5  }
0xaa: {  	[dreg:$0x4] =	wrdreg $0xC0  }
0xab: {  	_ =	task [dreg:s7], $0x5FFFF  }
0xac: {  	[dreg:$0x1] =	wrdreg $0xFFFFFFFF  }
0xad: {  	[dreg:$0x0] =	wrdreg $0x60  }
0xae: {  	[dreg:$0x2] =	wrdreg s2  }
0xaf: {  	[dreg:$0x3] =	wrdreg s24  }
0xb0: {  	[dreg:$0x4] =	wrdreg $0xC2800  }
0xb1: {  	[dreg:$0x5] =	wrdreg $0x15F000  }
0xb2: {  	[dreg:$0x6] =	wrdreg $0x9  }
0xb3: {  	_ =	task.clear_ibuf [dreg:s7], $0x7FFFF;
	_ =	strace $0x9000004F  }
0xb4: {  	s29 =	simm.s32 $0x9;
	_ =	strace $0x80000051  }
0xb5: {  	_ =	swait.ge [sflag:s29], $0x1  }
0xb6: {  	[sflag:s29] =	ssyncadd.s32 $0xFFFFFFFF  }
0xb7: {  	_ =	strace $0x90000051  }
0xb8: {  	_ =	sfence  }
0xb9: {  	s30 =	sld [smem:$0x0];
	_ =	sdelay $0x2  }
0xba: {  	s31 =	sshll.u32 s1, $0xD;
	s1 =	sshrl.u32 s1, $0x2  }
0xbb: {  	s3 =	sand.u32 $0x4000, s31;
	s1 =	sadd.s32 s1, s30  }
0xbc: {  	s0 =	sor.u32 s3, s0;
	s1 =	sshll.u32 s1, $0x11  }
0xbd: {  	s0 =	sor.u32 s1, s0  }
0xbe: {  	s0 =	sadd.s32 $0x8F2B, s0  }
0xbf: {  	[sflag:s0] =	ssyncadd.remote.s32 $0x1  }
0xc0: {  	_ =	sfence.sel $0xFFFF  }
0xc1: {  	[dreg:$0x0] =	wrdreg $0xFFFFFFFF;
	(pc) =	sbr.abs _section_cstart, $3  }
0xc2: {  	[dreg:$0x1] =	wrdreg $0xFFFFFFFF  }
0xc3: {  	_ =	task.clear_ibuf [dreg:s7], $0x2FFFF;
	_ =	strace $0x9FFFFFFF  }
0xc4: {  	(tm) =	ssettm $0x7FFFFFFF  }
0xc5: {  	_ =	shalt  }
tec
execute0_lowered:
.L_overlay_start_1:
0x0: {  	(tag) =	ssettag $0x1  }
0x1: {  	s1 =	rddreg [dreg:$0x0]  }
0x2: {  	s0 =	rddreg [dreg:$0x1]  }
0x3: {  	s2 =	rddreg [dreg:$0x2]  }
0x4: {  	s4 =	rddreg [dreg:$0x3];
	s5 =	simm.s32 $0x0  }
0x5: {  	s3 =	stileid.u32;
	s9 =	srdreg.scid;
	s28 =	simm.s32 $0x4280  }
0x6: {  	s29 =	simm.s32 $0x2;
	[smem:$0x7FF] =	sst s5;
	s8 =	smul.u32 $0x1380, s3  }
0x7: {  	s6 =	sadd.s32 $0xDBC00, s0;
	s7 =	sadd.s32 $0xB8A200, s0;
	s9 =	sand.u32 $0x1, s9  }
0x8: {  	s12 =	sadd.s32 $0xB4A00, s0;
	s14 =	smul.u32 $0x9C00, s3;
	s19 =	sadd.s32 $0x102E00, s0  }
0x9: {  	s21 =	smul.u32 $0x138, s3;
	s23 =	sadd.s32 $0x92400, s2;
	s25 =	sadd.s32 $0x18A280, s0  }
0xa: {  	p0 =	seq.s32 s3, $0xF;
	_ =	strace $0x80000050;
	s11 =	smul.u32 $0x1388, s9  }
0xb: {  	s10 =	ssub.s32 $0x2, s9;
	[dreg:$0x9] =	wrdreg s23;
	s24 =	smul.u32 $0x9C400, s9  }
0xc: {  	[dreg:$0xa] =	wrdreg s25;
	s23 =	simm.s32 $0x280;
	s25 =	simm.s32 $0x8280  }
0xd: {  	s8 =	sadd.s32 s8, s0;
	s13 =	sshrl.u32 s10, $0x1;
	s15 =	sadd.s32 s14, s2  }
0xe: {  	s14 =	sadd.s32 s14, s4;
	s10 =	ssub.s32 s10, s13;
	[dreg:$0x5] =	wrdreg s15  }
0xf: {  	s22 =	sadd.s32 $0x177E00, s8;
	[dreg:$0x7] =	wrdreg s14;
	s8 =	sadd.s32 $0x19F000, s8  }
0x10: {  	s14 =	sadd.s32 $0x92400, s4;
	s26 =	sadd.s32 s21, s11;
	s15 =	sadd.s32 $0x1B1480, s0  }
.Ltmp0:
0x11: {  	s21 =	simm.s32 $0x3;
	[dreg:$0x6] =	wrdreg s22;
	(pc) =	sbr.rel .LBB2_1-.Ltmp0, $4  }
0x12: {  	[dreg:$0x8] =	wrdreg s8;
	s30 =	sshll.u32 s26, $0x4;
	s8 =	sshrl.u32 s24, $0x3  }
0x13: {  	s20 =	smax.u32 s10, $0x1;
	s22 =	simm.s32 $0x80;
	s24 =	simm.s32 $0x1  }
0x14: {  	s26 =	simm.s32 $0x200;
	s16 =	sadd.s32 s12, s30;
	s31 =	sadd.s32 $0x12480, s8  }
0x15: {  	v0 =	vmov s11;
	s17 =	sadd.s32 s19, s30;
	s18 =	sadd.s32 s12, s31;
	s19 =	sadd.s32 s19, s31  }
.LBB2_7:
0x16: {  	[bflag:$0x0] =	sbarrier.arrive $0xFFFF;
	s10 =	simm.s32 @p0 $0x1FC2;
	s11 =	simm.s32 @p0 $0x2  }
0x17: {  	[hbm:s18], [sflag:s10] =	dma.local @p0 [spmem:s31], $0x1400  }
0x18: {  	_ =	swait.ge @p0 [sflag:s11], $0x1400  }
0x19: {  	[sflag:s11] =	ssyncset.done @p0 $0x0  }
0x1a: {  	[sflag:s11] =	ssyncadd.s32 @p0 $0xFFFFEC00  }
0x1b: {  	[hbm:s19], [sflag:s10] =	dma.local @p0 [spmem:s0], $0x1400  }
0x1c: {  	_ =	swait.ge @p0 [sflag:s11], $0x1400  }
0x1d: {  	[sflag:s11] =	ssyncset.done @p0 $0x0  }
0x1e: {  	s0 =	simm.s32 @!p0 $0x2;
	[sflag:s11] =	ssyncadd.s32 @p0 $0xFFFFEC00  }
0x1f: {  	[hbm:s16], [sflag:s30] =	dma.local @!p0 [spmem:s8], $0x1380  }
0x20: {  	s5 =	sadd.s32 $0x1, s5;
	_ =	swait.ge @!p0 [sflag:s0], $0x1380  }
0x21: {  	p1 =	sne.s32 s5, s20;
	[sflag:s0] =	ssyncset.done @!p0 $0x0  }
.Ltmp1:
0x22: {  	[sflag:s0] =	ssyncadd.s32 @!p0 $0xFFFFEC80;
	(pc) =	sbr.rel @!p1 .LBB2_8-.Ltmp1, $4  }
0x23: {  	[hbm:s17], [sflag:s30] =	dma.local @!p0 [spmem:s9], $0x1380  }
0x24: {  	_ =	swait.ge @!p0 [sflag:s0], $0x1380  }
0x25: {  	[sflag:s0] =	ssyncset.done @!p0 $0x0  }
0x26: {  	[sflag:s0] =	ssyncadd.s32 @!p0 $0xFFFFEC80  }
.LBB2_1:
0x27: {  	s0 =	rddreg [dreg:$0x9];
	s8 =	simm.s32 @p0 $0x1FC2  }
0x28: {  	s9 =	simm.s32 @p0 $0x2;
	s31 =	sshrl.u32 @p0 s0, $0x3;
	s0 =	rddreg [dreg:$0xa]  }
0x29: {  	[spmem:s31], [sflag:s8] =	dma.local @p0 [hbm:s0], $0x1480  }
0x2a: {  	_ =	swait.ge @p0 [sflag:s9], $0x1480  }
0x2b: {  	[sflag:s9] =	ssyncset.done @p0 $0x0  }
0x2c: {  	s0 =	sshrl.u32 @p0 s14, $0x3;
	[sflag:s9] =	ssyncadd.s32 @p0 $0xFFFFEB80  }
0x2d: {  	[spmem:s0], [sflag:s8] =	dma.local @p0 [hbm:s15], $0x1480  }
0x2e: {  	s10 =	simm.s32 @!p0 $0x2;
	s8 =	sshll.u32 @!p0 s3, $0x6;
	_ =	swait.ge @p0 [sflag:s9], $0x1480  }
0x2f: {  	s30 =	sor.u32 @!p0 $0x1C02, s8;
	[sflag:s9] =	ssyncset.done @p0 $0x0;
	s8 =	rddreg [dreg:$0x5]  }
0x30: {  	[sflag:s9] =	ssyncadd.s32 @p0 $0xFFFFEB80;
	s8 =	sshrl.u32 @!p0 s8, $0x3;
	s9 =	rddreg [dreg:$0x6]  }
0x31: {  	[spmem:s8], [sflag:s30] =	dma.local @!p0 [hbm:s9], $0x1380  }
0x32: {  	_ =	swait.ge @!p0 [sflag:s10], $0x1380  }
0x33: {  	[sflag:s10] =	ssyncset.done @!p0 $0x0;
	s9 =	rddreg [dreg:$0x7]  }
0x34: {  	s11 =	rddreg [dreg:$0x8];
	[sflag:s10] =	ssyncadd.s32 @!p0 $0xFFFFEC80;
	s9 =	sshrl.u32 @!p0 s9, $0x3  }
0x35: {  	[spmem:s9], [sflag:s30] =	dma.local @!p0 [hbm:s11], $0x1380  }
.Ltmp2:
0x36: {  	_ =	swait.ge @!p0 [sflag:s10], $0x1380;
	(pc) =	sbr.rel .LBB2_2-.Ltmp2, $4  }
0x37: {  	[sflag:s10] =	ssyncset.done @!p0 $0x0  }
0x38: {  	[sflag:s10] =	ssyncadd.s32 @!p0 $0xFFFFEC80  }
0x39: {  	[bflag:$0x0] =	sbarrier.arrive $0xFFFF  }
0x3a: {  	s10 =	simm.s32 $0x0  }
.LBB2_6:
0x3b: {  	s10 =	sadd.s32 $0x1, s10  }
0x3c: {  	p1 =	sne.s32 s10, $0x9D  }
.Ltmp3:
0x3d: {  	_ = 	snop;
	(pc) =	sbr.rel @!p1 .LBB2_7-.Ltmp3, $1  }
0x3e: {  	_ =	sdelay $0x3  }
.LBB2_2:
0x3f: {  	s11 =	sshll.u32 s10, $0x4  }
0x40: {  	s11 =	sor.u32 s3, s11  }
0x41: {  	p1 =	sgt.u32 s11, $0x9C3  }
.Ltmp4:
0x42: {  	_ = 	snop;
	(pc) =	sbr.rel @p1 .LBB2_6-.Ltmp4, $1  }
0x43: {  	_ =	sdelay $0x3  }
0x44: {  	s12 =	sshll.u32 s11, $0x6  }
0x45: {  	s13 =	simm.s32 $0x0;
	s12 =	sadd.s32 s1, s12  }
0x46: {  	[tilespmem:s13], [sflag:$0x3] =	stream.linear.gather [hbm4b:s12+s13], $0x180, $0x38;
	[tilespmem:$0x17290] =	vst v63  }
0x47: {  	_ =	swait.ge [sflag:s21], $0x180  }
0x48: {  	[sflag:s21] =	ssyncset.done $0x0  }
0x49: {  	[sflag:s21] =	ssyncadd.s32 $0xFFFFFE80  }
0x4a: {  	[tilespmem:s23], [sflag:$0x1] =	stream.indirect.gather [hbm4b:s6+s22], $0x80, s13, s22, $0xb8;
	[tilespmem:$0x17290] =	vst v63  }
0x4b: {  	_ =	swait.ge [sflag:s24], $0x4000  }
0x4c: {  	s12 =	sshll.u32 s11, $0xB;
	[sflag:s24] =	ssyncset.done $0x0  }
0x4d: {  	s11 =	sadd.s32 s7, s12;
	[sflag:s24] =	ssyncadd.s32 $0xFFFFC000  }
0x4e: {  	[tilespmem:s25], [sflag:$0x3] =	stream.linear.gather [hbm4b:s11+s13], $0x4000, $0x38;
	[tilespmem:$0x17290] =	vst v63  }
0x4f: {  	_ =	swait.ge [sflag:s21], $0x4000  }
0x50: {  	[sflag:s21] =	ssyncset.done $0x0  }
0x51: {  	[sflag:s21] =	ssyncadd.s32 $0xFFFFC000  }
0x52: {  	v1 =	vld [tilespmem:$0x100]  }
0x53: {  	v2 =	vld [tilespmem:$0x110]  }
0x54: {  	v3 =	vld [tilespmem:$0x120]  }
0x55: {  	v4 =	vld [tilespmem:$0x130]  }
0x56: {  	v5 =	vld [tilespmem:$0x140]  }
0x57: {  	v6 =	vld [tilespmem:$0x150];
	v1 =	vsub.s32 v1, v0  }
0x58: {  	v7 =	vld [tilespmem:$0x160];
	v2 =	vsub.s32 v2, v0;
	v1 =	vmin.u32 v1, $0x1388  }
0x59: {  	[tilespmem:$0x200] =	vst v1;
	v1 =	vmin.u32 v2, $0x1388;
	v2 =	vsub.s32 v3, v0;
	v3 =	vld [tilespmem:$0x170]  }
0x5a: {  	[tilespmem:$0x210] =	vst v1;
	v1 =	vmin.u32 v2, $0x1388;
	v2 =	vsub.s32 v4, v0  }
0x5b: {  	[tilespmem:$0x220] =	vst v1;
	v1 =	vmin.u32 v2, $0x1388;
	v2 =	vsub.s32 v5, v0  }
0x5c: {  	[tilespmem:$0x230] =	vst v1;
	v1 =	vmin.u32 v2, $0x1388;
	v2 =	vsub.s32 v6, v0  }
0x5d: {  	[tilespmem:$0x240] =	vst v1;
	v1 =	vmin.u32 v2, $0x1388;
	v2 =	vsub.s32 v7, v0  }
0x5e: {  	[tilespmem:$0x250] =	vst v1;
	v1 =	vmin.u32 v2, $0x1388;
	v2 =	vsub.s32 v3, v0  }
0x5f: {  	[tilespmem:$0x260] =	vst v1;
	v1 =	vmin.u32 v2, $0x1388  }
0x60: {  	s12 =	simm.s32 $0x0;
	[tilespmem:$0x270] =	vst v1  }
0x61: {  	v1 =	vld [tilespmem:s12+$0x8280]  }
0x62: {  	v2 =	vld [tilespmem:s12+$0x2F0]  }
0x63: {  	v7 =	vld [tilespmem:s12+$0x280]  }
0x64: {  	v8 =	vld [tilespmem:s12+$0x290]  }
0x65: {  	v9 =	vld [tilespmem:s12+$0x2A0]  }
0x66: {  	v6 =	vld [tilespmem:s12+$0x2B0]  }
0x67: {  	v4 =	vld [tilespmem:s12+$0x2C0];
	v2 =	vmul.f32 v2, v1  }
0x68: {  	v5 =	vld [tilespmem:s12+$0x2D0];
	v10 =	vmul.f32 v7, v1  }
0x69: {  	s11 =	simm.s32 $0x80;
	v3 =	vld [tilespmem:s12+$0x2E0];
	v7 =	vmul.f32 v8, v1;
	[tilespmem:s12+$0x42F0] =	vst v2  }
0x6a: {  	s13 =	simm.s32 $0x400;
	v8 =	vmul.f32 v9, v1;
	v2 =	vld [tilespmem:s11+$0x8280];
	[tilespmem:s12+$0x4280] =	vst v10  }
.LBB2_4:
0x6b: {  	p1 =	sne.s32 s13, $0xFE00;
	v9 =	vld [tilespmem:s11+$0x2F0];
	[tilespmem:s12+$0x4290] =	vst v7;
	v6 =	vmul.f32 v6, v1  }
0x6c: {  	v7 =	vld [tilespmem:s11+$0x280];
	[tilespmem:s12+$0x42A0] =	vst v8;
	v4 =	vmul.f32 v4, v1  }
0x6d: {  	v8 =	vld [tilespmem:s11+$0x290];
	[tilespmem:s12+$0x42B0] =	vst v6;
	v5 =	vmul.f32 v5, v1  }
0x6e: {  	v10 =	vld [tilespmem:s11+$0x2A0];
	[tilespmem:s12+$0x42C0] =	vst v4;
	v3 =	vmul.f32 v3, v1  }
.Ltmp5:
0x6f: {  	v6 =	vld [tilespmem:s11+$0x2B0];
	[tilespmem:s12+$0x42D0] =	vst v5;
	v1 =	vmov v2;
	(pc) =	sbr.rel @p1 .LBB2_4-.Ltmp5, $4  }
0x70: {  	v4 =	vld [tilespmem:s11+$0x2C0];
	v2 =	vmul.f32 v9, v1;
	[tilespmem:s12+$0x42E0] =	vst v3;
	s12 =	smov.u32 s11  }
0x71: {  	v9 =	vmul.f32 v7, v1;
	v5 =	vld [tilespmem:s12+$0x2D0]  }
0x72: {  	s11 =	sshra.s32 s13, $0x2;
	v7 =	vmul.f32 v8, v1;
	v3 =	vld [tilespmem:s12+$0x2E0];
	[tilespmem:s12+$0x42F0] =	vst v2  }
0x73: {  	s13 =	sadd.s32 $0x200, s13;
	v2 =	vld [tilespmem:s11+$0x8280];
	[tilespmem:s12+$0x4280] =	vst v9;
	v8 =	vmul.f32 v10, v1  }
0x74: {  	v9 =	vld [tilespmem:s11+$0x2F0];
	[tilespmem:s12+$0x4290] =	vst v7;
	v6 =	vmul.f32 v6, v1  }
0x75: {  	v7 =	vld [tilespmem:s11+$0x280];
	[tilespmem:s12+$0x42A0] =	vst v8;
	v4 =	vmul.f32 v4, v1  }
0x76: {  	v8 =	vld [tilespmem:s11+$0x290];
	[tilespmem:s12+$0x42B0] =	vst v6;
	v5 =	vmul.f32 v5, v1  }
0x77: {  	v6 =	vld [tilespmem:s11+$0x2A0];
	[tilespmem:s12+$0x42C0] =	vst v4;
	v1 =	vmul.f32 v3, v1  }
0x78: {  	v4 =	vld [tilespmem:s11+$0x2B0];
	[tilespmem:s12+$0x42D0] =	vst v5  }
0x79: {  	v3 =	vld [tilespmem:s11+$0x2C0];
	[tilespmem:s12+$0x42E0] =	vst v1;
	v1 =	vmul.f32 v9, v2  }
0x7a: {  	v5 =	vld [tilespmem:s11+$0x2D0];
	v7 =	vmul.f32 v7, v2  }
0x7b: {  	v63 =	vld [tilespmem:s11+$0x2E0];
	v8 =	vmul.f32 v8, v2;
	[tilespmem:s11+$0x42F0] =	vst v1  }
0x7c: {  	[tilespmem:s11+$0x4280] =	vst v7;
	v1 =	vmul.f32 v6, v2  }
0x7d: {  	[tilespmem:s11+$0x4290] =	vst v8;
	v4 =	vmul.f32 v4, v2  }
0x7e: {  	[tilespmem:s11+$0x42A0] =	vst v1;
	v1 =	vmul.f32 v3, v2  }
0x7f: {  	[tilespmem:s11+$0x42B0] =	vst v4;
	v3 =	vmul.f32 v5, v2  }
0x80: {  	[tilespmem:s11+$0x42C0] =	vst v1;
	v1 =	vmul.f32 v63, v2  }
0x81: {  	[tilespmem:s11+$0x42D0] =	vst v3  }
0x82: {  	[tilespmem:s11+$0x42E0] =	vst v1  }
0x83: {  	[spmem:s2] =	stream.indirect.scatter.add.f32 [tilespmem:s28], [sflag:$0x3], $0x80, s26, s22, $0xb8;
	[tilespmem:$0x17290] =	vst v63  }
0x84: {  	_ =	swait.ge [sflag:s21], $0x4000  }
0x85: {  	[sflag:s21] =	ssyncset.done $0x0  }
.Ltmp6:
0x86: {  	[sflag:s21] =	ssyncadd.s32 $0xFFFFC000;
	(pc) =	sbr.rel .LBB2_6-.Ltmp6, $4  }
0x87: {  	[spmem:s4] =	stream.indirect.scatter.add.f32 [tilespmem:s25], [sflag:$0x2], $0x10, s26, s22, $0xb8;
	[tilespmem:$0x17290] =	vst v63  }
0x88: {  	_ =	swait.ge [sflag:s29], $0x800  }
0x89: {  	[sflag:s29] =	ssyncset.done $0x0  }
0x8a: {  	[sflag:s29] =	ssyncadd.s32 $0xFFFFF800  }
.LBB2_8:
0x8b: {  	_ =	sfence.sel $0x180000  }
0x8c: {  	[bflag:$0x0] =	sbarrier.arrive $0xFFFF  }
0x8d: {  	_ =	strace $0x90000050  }
0x8e: {  	[bflag:$0x2] =	sbarrier.arrive $0xFFFF  }
0x8f: {  	p0 =	sne.s32 s3, $0x0;
	s0 =	rddreg [dreg:$0x4]  }
0x90: {  	s0 =	sadd.s32 @!p0 $0x100000, s0  }
0x91: {  	[sflag:s0] =	ssyncadd.tile.s32 @!p0 $0x1;
	_ =	shalt  }
.Lfunc_end2:
_tile_overlayer_lowered:
.L_overlay_start_2:
0x92: {  	(tag) =	ssettag $0x2  }
0x93: {  	s0 =	rddreg [dreg:$0x0];
	s2 =	stileid.u32  }
0x94: {  	s1 =	rddreg [dreg:$0x1];
	p0 =	sne.s32 s2, $0x0  }
0x95: {  	s3 =	rddreg [dreg:$0x2];
	[bflag:$0x3] =	sbarrier.arrive $0xFFFF;
	s2 =	simm.s32 @!p0 $0x1C02  }
0x96: {  	[timem:s3], [sflag:s2] =	dma.local @!p0 [hbm:s0], s1  }
0x97: {  	s0 =	simm.s32 @!p0 $0x2  }
0x98: {  	_ =	swait.ge @!p0 [sflag:s0], s1  }
0x99: {  	s1 =	ssub.s32 @!p0 $0x0, s1;
	[sflag:s0] =	ssyncset.done @!p0 $0x0  }
0x9a: {  	[sflag:s0] =	ssyncadd.s32 @!p0 s1  }
0x9b: {  	[bflag:$0x3] =	sbarrier.arrive $0xFFFF  }
0x9c: {  	_ =	shalt  }

</sc_bundles>
